<compile_context>
chip_gen: v7x
topology: tpu7x:2x2x1
jax: 0.10.2.dev20260603
libtpu: 0.0.44.dev20260713+nightly
codegen_flags: <defaults>
</compile_context>

<pallas_src>
import jax
import jax.numpy as jnp
from jax import lax
from jax.experimental import pallas as pl
from jax.experimental.pallas import tpu as pltpu
from jax.experimental.pallas import tpu_sc as plsc

DATASET_SIZE = 1000000
BATCH = 16384
DIHEDRAL_EPS = 0.076
GNN_EPS = 6.38
FOLDSEEK_EPS = 3.0
DUAL_LR = 0.001

NC = 2
NS = 16
NW = NC * NS
LANES = 16

SLICE = 31248
TAIL = DATASET_SIZE - NW * SLICE
SLICE_PAD = SLICE + TAIL

BLK = 2048
NBLK = BATCH // BLK
BCHUNKS = BLK // LANES


def _sc_body(batch_hbm, lam_d, lam_g, lam_f,
             out_d, out_g, out_f, part_out,
             sd_v, sg_v, sf_v, blk_a, blk_b, blk_c,
             part_v, sem_sl, sem_st):
    cid = lax.axis_index("c")
    sid = lax.axis_index("s")
    wid = sid * NC + cid
    lo = wid * SLICE
    is_last = wid == NW - 1
    own_size = jnp.where(is_last, SLICE + TAIL, SLICE).astype(jnp.uint32)

    slice_in = [
        pltpu.async_copy(lam_d.at[pl.ds(lo, SLICE_PAD)], sd_v, sem_sl),
        pltpu.async_copy(lam_g.at[pl.ds(lo, SLICE_PAD)], sg_v, sem_sl),
        pltpu.async_copy(lam_f.at[pl.ds(lo, SLICE_PAD)], sf_v, sem_sl),
    ]

    bufs = [blk_a, blk_b, blk_c]

    phase = lax.rem(wid, NBLK)

    def stage_block(b, buf):
        bid = lax.rem(b + phase, NBLK)
        return [pltpu.async_copy(batch_hbm.at[bid], buf, sem_st)]

    pend = {0: stage_block(0, bufs[0]), 1: stage_block(1, bufs[1])}
    for c in slice_in:
        c.wait()

    acc = jnp.zeros((LANES,), jnp.float32)
    for b in range(NBLK):
        cur = bufs[b % 3]
        for c in pend.pop(b):
            c.wait()
        if b + 2 < NBLK:
            pend[b + 2] = stage_block(b + 2, bufs[(b + 2) % 3])

        def chunk(i, acc, cur=cur):
            sl = pl.ds(i * LANES, LANES)
            idx = cur[0, sl]
            li = idx - lo
            own = li.astype(jnp.uint32) < own_size
            old_d = plsc.load_gather(sd_v, [li], mask=own)
            old_g = plsc.load_gather(sg_v, [li], mask=own)
            old_f = plsc.load_gather(sf_v, [li], mask=own)
            viol_d = plsc.bitcast(cur[1, sl], jnp.float32) - DIHEDRAL_EPS
            viol_g = plsc.bitcast(cur[2, sl], jnp.float32) - GNN_EPS
            viol_f = plsc.bitcast(cur[3, sl], jnp.float32) - FOLDSEEK_EPS
            term = old_d * viol_d + old_g * viol_g + old_f * viol_f
            acc = acc + jnp.where(own, term, 0.0)
            plsc.store_scatter(
                sd_v, [li], jnp.maximum(old_d + DUAL_LR * viol_d, 0.0), mask=own)
            plsc.store_scatter(
                sg_v, [li], jnp.maximum(old_g + DUAL_LR * viol_g, 0.0), mask=own)
            plsc.store_scatter(
                sf_v, [li], jnp.maximum(old_f + DUAL_LR * viol_f, 0.0), mask=own)
            return acc

        acc = lax.fori_loop(0, BCHUNKS, chunk, acc)

    part_v[...] = acc * (1.0 / BATCH)

    finish = [
        pltpu.async_copy(sd_v.at[pl.ds(0, SLICE)], out_d.at[pl.ds(lo, SLICE)], sem_sl),
        pltpu.async_copy(sg_v.at[pl.ds(0, SLICE)], out_g.at[pl.ds(lo, SLICE)], sem_sl),
        pltpu.async_copy(sf_v.at[pl.ds(0, SLICE)], out_f.at[pl.ds(lo, SLICE)], sem_sl),
        pltpu.async_copy(part_v, part_out.at[wid], sem_st),
    ]

    @pl.when(is_last)
    def _write_tail():
        tail = [
            pltpu.async_copy(sd_v.at[pl.ds(SLICE, TAIL)],
                             out_d.at[pl.ds(NW * SLICE, TAIL)], sem_st),
            pltpu.async_copy(sg_v.at[pl.ds(SLICE, TAIL)],
                             out_g.at[pl.ds(NW * SLICE, TAIL)], sem_st),
            pltpu.async_copy(sf_v.at[pl.ds(SLICE, TAIL)],
                             out_f.at[pl.ds(NW * SLICE, TAIL)], sem_st),
        ]
        for c in tail:
            c.wait()

    for c in finish:
        c.wait()


_sc_call = pl.kernel(
    _sc_body,
    out_type=(
        jax.ShapeDtypeStruct((DATASET_SIZE,), jnp.float32),
        jax.ShapeDtypeStruct((DATASET_SIZE,), jnp.float32),
        jax.ShapeDtypeStruct((DATASET_SIZE,), jnp.float32),
        jax.ShapeDtypeStruct((NW, LANES), jnp.float32),
    ),
    mesh=plsc.VectorSubcoreMesh(core_axis_name="c", subcore_axis_name="s",
                                num_cores=NC, num_subcores=NS),
    compiler_params=pltpu.CompilerParams(needs_layout_passes=False),
    scratch_types=[
        pltpu.VMEM((SLICE_PAD,), jnp.float32),
        pltpu.VMEM((SLICE_PAD,), jnp.float32),
        pltpu.VMEM((SLICE_PAD,), jnp.float32),
        pltpu.VMEM((4, BLK), jnp.int32),
        pltpu.VMEM((4, BLK), jnp.int32),
        pltpu.VMEM((4, BLK), jnp.int32),
        pltpu.VMEM((LANES,), jnp.float32),
        pltpu.SemaphoreType.DMA,
        pltpu.SemaphoreType.DMA,
    ],
)


def kernel(primary_loss, dihedral_losses, gnn_losses, foldseek_losses,
           indices, lam_dihedral, lam_gnn, lam_foldseek):
    idx = indices.astype(jnp.int32)
    batch = jnp.stack([
        idx,
        lax.bitcast_convert_type(dihedral_losses, jnp.int32),
        lax.bitcast_convert_type(gnn_losses, jnp.int32),
        lax.bitcast_convert_type(foldseek_losses, jnp.int32),
    ])
    batch = batch.reshape(4, NBLK, BLK).transpose(1, 0, 2)
    upd_d, upd_g, upd_f, partials = _sc_call(
        batch, lam_dihedral, lam_gnn, lam_foldseek)
    lagrangian = primary_loss + jnp.sum(partials)
    return lagrangian, upd_d, upd_g, upd_f

# --- scband reference (transcript-rebuilt; emitter-appended) ---
"""Pipeline reference for scband-multi-constraint-lagrangian-30270929502888 (READ-ONLY COPY).

The authoritative reference and input builder live on the scoring server;
editing this copy changes nothing except your own understanding.
"""

import jax, jax.numpy as jnp
import numpy as np

DATASET_SIZE = 1000000
BATCH = 16384
DIHEDRAL_EPS = 0.076
GNN_EPS = 6.38
FOLDSEEK_EPS = 3.0
DUAL_LR = 0.001


def setup_inputs(seed: int = 0) -> dict:
    key = jax.random.key(seed)
    k1, k2, k3, k4, k5, k6, k7, k8 = jax.random.split(key, 8)
    primary_loss = jax.random.uniform(k1, (), dtype=jnp.float32)
    dihedral_losses = jax.random.uniform(k2, (BATCH,), dtype=jnp.float32)
    gnn_losses = jax.random.uniform(k3, (BATCH,), dtype=jnp.float32)
    foldseek_losses = jax.random.uniform(k4, (BATCH,), dtype=jnp.float32)
    indices = jax.random.randint(k5, (BATCH,), 0, DATASET_SIZE, dtype=jnp.int64 if jax.config.jax_enable_x64 else jnp.int32)
    # Lambda buffers are zeros in the module __init__; use small random positives
    # so the gather/scatter path is numerically nontrivial for benchmarking.
    lam_dihedral = jax.random.uniform(k6, (DATASET_SIZE,), dtype=jnp.float32) * 0.1
    lam_gnn = jax.random.uniform(k7, (DATASET_SIZE,), dtype=jnp.float32) * 0.1
    lam_foldseek = jax.random.uniform(k8, (DATASET_SIZE,), dtype=jnp.float32) * 0.1
    return {
        "primary_loss": primary_loss,
        "dihedral_losses": dihedral_losses,
        "gnn_losses": gnn_losses,
        "foldseek_losses": foldseek_losses,
        "indices": indices,
        "lam_dihedral": lam_dihedral,
        "lam_gnn": lam_gnn,
        "lam_foldseek": lam_foldseek,
    }


def reference(primary_loss, dihedral_losses, gnn_losses, foldseek_losses, indices,
              lam_dihedral, lam_gnn, lam_foldseek):
    # ---- compute_lagrangian ----
    lam_d_b = jax.lax.stop_gradient(jnp.take(lam_dihedral, indices, axis=0))
    lam_g_b = jax.lax.stop_gradient(jnp.take(lam_gnn, indices, axis=0))
    lam_f_b = jax.lax.stop_gradient(jnp.take(lam_foldseek, indices, axis=0))

    viol_d = dihedral_losses - DIHEDRAL_EPS
    viol_g = gnn_losses - GNN_EPS
    viol_f = foldseek_losses - FOLDSEEK_EPS

    avg_d = jnp.mean(lam_d_b * viol_d)
    avg_g = jnp.mean(lam_g_b * viol_g)
    avg_f = jnp.mean(lam_f_b * viol_f)

    lagrangian = primary_loss + (avg_d + avg_g + avg_f)

    # ---- update_dual_variables (no_grad; projected gradient ascent, scatter-overwrite) ----
    viol_d_ng = jax.lax.stop_gradient(viol_d)
    viol_g_ng = jax.lax.stop_gradient(viol_g)
    viol_f_ng = jax.lax.stop_gradient(viol_f)

    new_d = jnp.clip(jnp.take(lam_dihedral, indices, axis=0) + DUAL_LR * viol_d_ng, 0.0, None)
    new_g = jnp.clip(jnp.take(lam_gnn, indices, axis=0) + DUAL_LR * viol_g_ng, 0.0, None)
    new_f = jnp.clip(jnp.take(lam_foldseek, indices, axis=0) + DUAL_LR * viol_f_ng, 0.0, None)

    upd_lam_d = lam_dihedral.at[indices].set(new_d)
    upd_lam_g = lam_gnn.at[indices].set(new_g)
    upd_lam_f = lam_foldseek.at[indices].set(new_f)

    return lagrangian, upd_lam_d, upd_lam_g, upd_lam_f

if __name__ == "__main__":
    import jax
    _d = setup_inputs()
    print(jax.jit(kernel)(*tuple(_d.values())))

</pallas_src>

<mosaic_0001>
#map = affine_map<(d0, d1) -> (0, 0, 0)>
#map1 = affine_map<(d0, d1) -> (0)>
#map2 = affine_map<(d0, d1) -> (0, 0)>
module attributes {stable_mosaic.version = 14 : i64} {
  func.func @_sc_body(%arg0: i32, %arg1: i32, %arg2: memref<8x4x2048xi32, #tpu.memory_space<hbm>>, %arg3: memref<1000000xf32, #tpu.memory_space<hbm>>, %arg4: memref<1000000xf32, #tpu.memory_space<hbm>>, %arg5: memref<1000000xf32, #tpu.memory_space<hbm>>, %arg6: memref<1000000xf32, #tpu.memory_space<hbm>>, %arg7: memref<1000000xf32, #tpu.memory_space<hbm>>, %arg8: memref<1000000xf32, #tpu.memory_space<hbm>>, %arg9: memref<32x16xf32, #tpu.memory_space<hbm>>, %arg10: memref<31312xf32, #tpu.memory_space<vmem>>, %arg11: memref<31312xf32, #tpu.memory_space<vmem>>, %arg12: memref<31312xf32, #tpu.memory_space<vmem>>, %arg13: memref<4x2048xi32, #tpu.memory_space<vmem>>, %arg14: memref<4x2048xi32, #tpu.memory_space<vmem>>, %arg15: memref<4x2048xi32, #tpu.memory_space<vmem>>, %arg16: memref<16xf32, #tpu.memory_space<vmem>>, %arg17: memref<!tpu.dma_semaphore, #tpu.memory_space<semaphore_mem>>, %arg18: memref<!tpu.dma_semaphore, #tpu.memory_space<semaphore_mem>>) attributes {dimension_semantics = [#tpu.dimension_semantics<core_parallel>, #tpu.dimension_semantics<subcore_parallel>], iteration_bounds = array<i64: 2, 16>, scalar_prefetch = 0 : i64, scratch_operands = 9 : i64, tpu.core_type = #tpu.core_type<sc_vector_subcore>, window_params = [{transform_indices = #map}, {transform_indices = #map1}, {transform_indices = #map1}, {transform_indices = #map1}, {transform_indices = #map1}, {transform_indices = #map1}, {transform_indices = #map1}, {transform_indices = #map2}]} {
    %mul3A = arith.constant 2 : i32
    %mul3A_0 = arith.muli %arg1, %mul3A : i32
    %add3A = arith.addi %mul3A_0, %arg0 : i32
    %mul3A_1 = arith.constant 31248 : i32
    %mul3A_2 = arith.muli %add3A, %mul3A_1 : i32
    %eq3A = arith.constant 31 : i32
    %eq3A_3 = arith.cmpi eq, %add3A, %eq3A : i32
    %jit3A = arith.constant 31312 : i32
    %jit3A_4 = arith.constant 31248 : i32
    %select_n3A = arith.select %eq3A_3, %jit3A, %jit3A_4 : i32
    %dma_start3A = tpu.memref_slice %arg3[%mul3A_2] : memref<1000000xf32, #tpu.memory_space<hbm>> -> memref<31312xf32, #tpu.memory_space<hbm>>
    %dma_start3A_5 = tpu.memref_slice %arg3[%mul3A_2] : memref<1000000xf32, #tpu.memory_space<hbm>> -> memref<31312xf32, #tpu.memory_space<hbm>>
    tpu.enqueue_dma source(%dma_start3A_5 : memref<31312xf32, #tpu.memory_space<hbm>>) target(%arg10 : memref<31312xf32, #tpu.memory_space<vmem>>) target_semaphore(%arg17 : memref<!tpu.dma_semaphore, #tpu.memory_space<semaphore_mem>>)
    %dma_start3A_6 = tpu.memref_slice %arg4[%mul3A_2] : memref<1000000xf32, #tpu.memory_space<hbm>> -> memref<31312xf32, #tpu.memory_space<hbm>>
    %dma_start3A_7 = tpu.memref_slice %arg4[%mul3A_2] : memref<1000000xf32, #tpu.memory_space<hbm>> -> memref<31312xf32, #tpu.memory_space<hbm>>
    tpu.enqueue_dma source(%dma_start3A_7 : memref<31312xf32, #tpu.memory_space<hbm>>) target(%arg11 : memref<31312xf32, #tpu.memory_space<vmem>>) target_semaphore(%arg17 : memref<!tpu.dma_semaphore, #tpu.memory_space<semaphore_mem>>)
    %dma_start3A_8 = tpu.memref_slice %arg5[%mul3A_2] : memref<1000000xf32, #tpu.memory_space<hbm>> -> memref<31312xf32, #tpu.memory_space<hbm>>
    %dma_start3A_9 = tpu.memref_slice %arg5[%mul3A_2] : memref<1000000xf32, #tpu.memory_space<hbm>> -> memref<31312xf32, #tpu.memory_space<hbm>>
    tpu.enqueue_dma source(%dma_start3A_9 : memref<31312xf32, #tpu.memory_space<hbm>>) target(%arg12 : memref<31312xf32, #tpu.memory_space<vmem>>) target_semaphore(%arg17 : memref<!tpu.dma_semaphore, #tpu.memory_space<semaphore_mem>>)
    %rem3A = arith.constant 8 : i32
    %rem3A_10 = arith.remsi %add3A, %rem3A : i32
    %add3A_11 = arith.constant 0 : i32
    %add3A_12 = arith.addi %add3A_11, %rem3A_10 : i32
    %rem3A_13 = arith.constant 8 : i32
    %rem3A_14 = arith.remsi %add3A_12, %rem3A_13 : i32
    %dma_start3A_15 = arith.constant 0 : i32
    %dma_start3A_16 = arith.constant 0 : i32
    %dma_start3A_17 = tpu.memref_slice %arg2[%rem3A_14, %dma_start3A_15, %dma_start3A_16] : memref<8x4x2048xi32, #tpu.memory_space<hbm>> -> memref<1x4x2048xi32, #tpu.memory_space<hbm>>
    %dma_start3A_18 = tpu.memref_squeeze %dma_start3A_17 : memref<1x4x2048xi32, #tpu.memory_space<hbm>> -> memref<4x2048xi32, #tpu.memory_space<hbm>>
    %dma_start3A_19 = arith.constant 0 : i32
    %dma_start3A_20 = arith.constant 0 : i32
    %dma_start3A_21 = tpu.memref_slice %arg2[%rem3A_14, %dma_start3A_19, %dma_start3A_20] : memref<8x4x2048xi32, #tpu.memory_space<hbm>> -> memref<1x4x2048xi32, #tpu.memory_space<hbm>>
    %dma_start3A_22 = tpu.memref_squeeze %dma_start3A_21 : memref<1x4x2048xi32, #tpu.memory_space<hbm>> -> memref<4x2048xi32, #tpu.memory_space<hbm>>
    tpu.enqueue_dma source(%dma_start3A_22 : memref<4x2048xi32, #tpu.memory_space<hbm>>) target(%arg13 : memref<4x2048xi32, #tpu.memory_space<vmem>>) target_semaphore(%arg18 : memref<!tpu.dma_semaphore, #tpu.memory_space<semaphore_mem>>)
    %add3A_23 = arith.constant 1 : i32
    %add3A_24 = arith.addi %add3A_23, %rem3A_10 : i32
    %rem3A_25 = arith.constant 8 : i32
    %rem3A_26 = arith.remsi %add3A_24, %rem3A_25 : i32
    %dma_start3A_27 = arith.constant 0 : i32
    %dma_start3A_28 = arith.constant 0 : i32
    %dma_start3A_29 = tpu.memref_slice %arg2[%rem3A_26, %dma_start3A_27, %dma_start3A_28] : memref<8x4x2048xi32, #tpu.memory_space<hbm>> -> memref<1x4x2048xi32, #tpu.memory_space<hbm>>
    %dma_start3A_30 = tpu.memref_squeeze %dma_start3A_29 : memref<1x4x2048xi32, #tpu.memory_space<hbm>> -> memref<4x2048xi32, #tpu.memory_space<hbm>>
    %dma_start3A_31 = arith.constant 0 : i32
    %dma_start3A_32 = arith.constant 0 : i32
    %dma_start3A_33 = tpu.memref_slice %arg2[%rem3A_26, %dma_start3A_31, %dma_start3A_32] : memref<8x4x2048xi32, #tpu.memory_space<hbm>> -> memref<1x4x2048xi32, #tpu.memory_space<hbm>>
    %dma_start3A_34 = tpu.memref_squeeze %dma_start3A_33 : memref<1x4x2048xi32, #tpu.memory_space<hbm>> -> memref<4x2048xi32, #tpu.memory_space<hbm>>
    tpu.enqueue_dma source(%dma_start3A_34 : memref<4x2048xi32, #tpu.memory_space<hbm>>) target(%arg14 : memref<4x2048xi32, #tpu.memory_space<vmem>>) target_semaphore(%arg18 : memref<!tpu.dma_semaphore, #tpu.memory_space<semaphore_mem>>)
    %dma_wait3A = tpu.memref_slice %arg3[%mul3A_2] : memref<1000000xf32, #tpu.memory_space<hbm>> -> memref<31312xf32, #tpu.memory_space<hbm>>
    %dma_wait3A_35 = tpu.memref_slice %arg3[%mul3A_2] : memref<1000000xf32, #tpu.memory_space<hbm>> -> memref<31312xf32, #tpu.memory_space<hbm>>
    tpu.wait_dma2 semaphore(%arg17 : memref<!tpu.dma_semaphore, #tpu.memory_space<semaphore_mem>>) src(%dma_wait3A_35 : memref<31312xf32, #tpu.memory_space<hbm>>) dst(%arg10 : memref<31312xf32, #tpu.memory_space<vmem>>)
    %dma_wait3A_36 = tpu.memref_slice %arg4[%mul3A_2] : memref<1000000xf32, #tpu.memory_space<hbm>> -> memref<31312xf32, #tpu.memory_space<hbm>>
    %dma_wait3A_37 = tpu.memref_slice %arg4[%mul3A_2] : memref<1000000xf32, #tpu.memory_space<hbm>> -> memref<31312xf32, #tpu.memory_space<hbm>>
    tpu.wait_dma2 semaphore(%arg17 : memref<!tpu.dma_semaphore, #tpu.memory_space<semaphore_mem>>) src(%dma_wait3A_37 : memref<31312xf32, #tpu.memory_space<hbm>>) dst(%arg11 : memref<31312xf32, #tpu.memory_space<vmem>>)
    %dma_wait3A_38 = tpu.memref_slice %arg5[%mul3A_2] : memref<1000000xf32, #tpu.memory_space<hbm>> -> memref<31312xf32, #tpu.memory_space<hbm>>
    %dma_wait3A_39 = tpu.memref_slice %arg5[%mul3A_2] : memref<1000000xf32, #tpu.memory_space<hbm>> -> memref<31312xf32, #tpu.memory_space<hbm>>
    tpu.wait_dma2 semaphore(%arg17 : memref<!tpu.dma_semaphore, #tpu.memory_space<semaphore_mem>>) src(%dma_wait3A_39 : memref<31312xf32, #tpu.memory_space<hbm>>) dst(%arg12 : memref<31312xf32, #tpu.memory_space<vmem>>)
    %broadcast_in_dim3A = arith.constant 0.000000e+00 : f32
    %broadcast_in_dim3A_40 = vector.broadcast %broadcast_in_dim3A : f32 to vector<16xf32>
    %dma_wait3A_41 = arith.constant 0 : i32
    %dma_wait3A_42 = arith.constant 0 : i32
    %dma_wait3A_43 = tpu.memref_slice %arg2[%rem3A_14, %dma_wait3A_41, %dma_wait3A_42] : memref<8x4x2048xi32, #tpu.memory_space<hbm>> -> memref<1x4x2048xi32, #tpu.memory_space<hbm>>
    %dma_wait3A_44 = tpu.memref_squeeze %dma_wait3A_43 : memref<1x4x2048xi32, #tpu.memory_space<hbm>> -> memref<4x2048xi32, #tpu.memory_space<hbm>>
    %dma_wait3A_45 = arith.constant 0 : i32
    %dma_wait3A_46 = arith.constant 0 : i32
    %dma_wait3A_47 = tpu.memref_slice %arg2[%rem3A_14, %dma_wait3A_45, %dma_wait3A_46] : memref<8x4x2048xi32, #tpu.memory_space<hbm>> -> memref<1x4x2048xi32, #tpu.memory_space<hbm>>
    %dma_wait3A_48 = tpu.memref_squeeze %dma_wait3A_47 : memref<1x4x2048xi32, #tpu.memory_space<hbm>> -> memref<4x2048xi32, #tpu.memory_space<hbm>>
    tpu.wait_dma2 semaphore(%arg18 : memref<!tpu.dma_semaphore, #tpu.memory_space<semaphore_mem>>) src(%dma_wait3A_48 : memref<4x2048xi32, #tpu.memory_space<hbm>>) dst(%arg13 : memref<4x2048xi32, #tpu.memory_space<vmem>>)
    %add3A_49 = arith.constant 2 : i32
    %add3A_50 = arith.addi %add3A_49, %rem3A_10 : i32
    %rem3A_51 = arith.constant 8 : i32
    %rem3A_52 = arith.remsi %add3A_50, %rem3A_51 : i32
    %dma_start3A_53 = arith.constant 0 : i32
    %dma_start3A_54 = arith.constant 0 : i32
    %dma_start3A_55 = tpu.memref_slice %arg2[%rem3A_52, %dma_start3A_53, %dma_start3A_54] : memref<8x4x2048xi32, #tpu.memory_space<hbm>> -> memref<1x4x2048xi32, #tpu.memory_space<hbm>>
    %dma_start3A_56 = tpu.memref_squeeze %dma_start3A_55 : memref<1x4x2048xi32, #tpu.memory_space<hbm>> -> memref<4x2048xi32, #tpu.memory_space<hbm>>
    %dma_start3A_57 = arith.constant 0 : i32
    %dma_start3A_58 = arith.constant 0 : i32
    %dma_start3A_59 = tpu.memref_slice %arg2[%rem3A_52, %dma_start3A_57, %dma_start3A_58] : memref<8x4x2048xi32, #tpu.memory_space<hbm>> -> memref<1x4x2048xi32, #tpu.memory_space<hbm>>
    %dma_start3A_60 = tpu.memref_squeeze %dma_start3A_59 : memref<1x4x2048xi32, #tpu.memory_space<hbm>> -> memref<4x2048xi32, #tpu.memory_space<hbm>>
    tpu.enqueue_dma source(%dma_start3A_60 : memref<4x2048xi32, #tpu.memory_space<hbm>>) target(%arg15 : memref<4x2048xi32, #tpu.memory_space<vmem>>) target_semaphore(%arg18 : memref<!tpu.dma_semaphore, #tpu.memory_space<semaphore_mem>>)
    %scan3A = arith.constant 0 : i32
    %scan3A_61 = arith.constant 128 : i32
    %scan3A_62 = arith.addi %scan3A, %scan3A_61 : i32
    %scan3A_63 = arith.constant 1 : i32
    %scan3A_64 = scf.for %scan3A_277 = %scan3A to %scan3A_62 step %scan3A_63 iter_args(%scan3A_278 = %broadcast_in_dim3A_40) -> (vector<16xf32>)  : i32 {
      %mul3A_279 = arith.constant 16 : i32
      %mul3A_280 = arith.muli %scan3A_277, %mul3A_279 : i32
      %get3A = arith.constant 0 : i32
      %get3A_281 = arith.index_cast %get3A : i32 to index
      %get3A_282 = arith.index_cast %mul3A_280 : i32 to index
      %get3A_283 = tpu.vector_load %arg13[%get3A_281, %get3A_282] {strides = array<i32>} : memref<4x2048xi32, #tpu.memory_space<vmem>>, vector<16xi32>,
      %sub3A = vector.broadcast %mul3A_2 : i32 to vector<16xi32>
      %sub3A_284 = arith.subi %get3A_283, %sub3A : vector<16xi32>
      %lt3A = vector.broadcast %select_n3A : i32 to vector<16xi32>
      %lt3A_285 = arith.cmpi ult, %sub3A_284, %lt3A : vector<16xi32>
      %gather3A = tpu.vector_load_idx %arg10[%sub3A_284] masked %lt3A_285 : memref<31312xf32, #tpu.memory_space<vmem>>[vector<16xi32>], vector<16xf32>, vector<16xi1>
      %gather3A_286 = tpu.vector_load_idx %arg11[%sub3A_284] masked %lt3A_285 : memref<31312xf32, #tpu.memory_space<vmem>>[vector<16xi32>], vector<16xf32>, vector<16xi1>
      %gather3A_287 = tpu.vector_load_idx %arg12[%sub3A_284] masked %lt3A_285 : memref<31312xf32, #tpu.memory_space<vmem>>[vector<16xi32>], vector<16xf32>, vector<16xi1>
      %get3A_288 = arith.constant 1 : i32
      %get3A_289 = arith.index_cast %get3A_288 : i32 to index
      %get3A_290 = arith.index_cast %mul3A_280 : i32 to index
      %get3A_291 = tpu.vector_load %arg13[%get3A_289, %get3A_290] {strides = array<i32>} : memref<4x2048xi32, #tpu.memory_space<vmem>>, vector<16xi32>,
      %bitcast3A = vector.bitcast %get3A_291 : vector<16xi32> to vector<16xf32>
      %sub3A_292 = arith.constant 7.600000e-02 : f32
      %sub3A_293 = vector.broadcast %sub3A_292 : f32 to vector<16xf32>
      %sub3A_294 = arith.subf %bitcast3A, %sub3A_293 : vector<16xf32>
      %get3A_295 = arith.constant 2 : i32
      %get3A_296 = arith.index_cast %get3A_295 : i32 to index
      %get3A_297 = arith.index_cast %mul3A_280 : i32 to index
      %get3A_298 = tpu.vector_load %arg13[%get3A_296, %get3A_297] {strides = array<i32>} : memref<4x2048xi32, #tpu.memory_space<vmem>>, vector<16xi32>,
      %bitcast3A_299 = vector.bitcast %get3A_298 : vector<16xi32> to vector<16xf32>
      %sub3A_300 = arith.constant 6.380000e+00 : f32
      %sub3A_301 = vector.broadcast %sub3A_300 : f32 to vector<16xf32>
      %sub3A_302 = arith.subf %bitcast3A_299, %sub3A_301 : vector<16xf32>
      %get3A_303 = arith.constant 3 : i32
      %get3A_304 = arith.index_cast %get3A_303 : i32 to index
      %get3A_305 = arith.index_cast %mul3A_280 : i32 to index
      %get3A_306 = tpu.vector_load %arg13[%get3A_304, %get3A_305] {strides = array<i32>} : memref<4x2048xi32, #tpu.memory_space<vmem>>, vector<16xi32>,
      %bitcast3A_307 = vector.bitcast %get3A_306 : vector<16xi32> to vector<16xf32>
      %sub3A_308 = arith.constant 3.000000e+00 : f32
      %sub3A_309 = vector.broadcast %sub3A_308 : f32 to vector<16xf32>
      %sub3A_310 = arith.subf %bitcast3A_307, %sub3A_309 : vector<16xf32>
      %mul3A_311 = arith.mulf %gather3A, %sub3A_294 : vector<16xf32>
      %mul3A_312 = arith.mulf %gather3A_286, %sub3A_302 : vector<16xf32>
      %add3A_313 = arith.addf %mul3A_311, %mul3A_312 : vector<16xf32>
      %mul3A_314 = arith.mulf %gather3A_287, %sub3A_310 : vector<16xf32>
      %add3A_315 = arith.addf %add3A_313, %mul3A_314 : vector<16xf32>
      %jit3A_316 = arith.constant 0.000000e+00 : f32
      %broadcast_in_dim3A_317 = vector.broadcast %jit3A_316 : f32 to vector<16xf32>
      %select_n3A_318 = arith.select %lt3A_285, %add3A_315, %broadcast_in_dim3A_317 : vector<16xi1>, vector<16xf32>
      %add3A_319 = arith.addf %scan3A_278, %select_n3A_318 : vector<16xf32>
      %mul3A_320 = arith.constant 1.000000e-03 : f32
      %mul3A_321 = vector.broadcast %mul3A_320 : f32 to vector<16xf32>
      %mul3A_322 = arith.mulf %mul3A_321, %sub3A_294 : vector<16xf32>
      %add3A_323 = arith.addf %gather3A, %mul3A_322 : vector<16xf32>
      %max3A = arith.constant 0.000000e+00 : f32
      %max3A_324 = vector.broadcast %max3A : f32 to vector<16xf32>
      %max3A_325 = arith.maximumf %add3A_323, %max3A_324 : vector<16xf32>
      tpu.vector_store_idx %arg10[%sub3A_284], %max3A_325 masked %lt3A_285 : memref<31312xf32, #tpu.memory_space<vmem>>[vector<16xi32>], vector<16xf32>, vector<16xi1>
      %mul3A_326 = arith.constant 1.000000e-03 : f32
      %mul3A_327 = vector.broadcast %mul3A_326 : f32 to vector<16xf32>
      %mul3A_328 = arith.mulf %mul3A_327, %sub3A_302 : vector<16xf32>
      %add3A_329 = arith.addf %gather3A_286, %mul3A_328 : vector<16xf32>
      %max3A_330 = arith.constant 0.000000e+00 : f32
      %max3A_331 = vector.broadcast %max3A_330 : f32 to vector<16xf32>
      %max3A_332 = arith.maximumf %add3A_329, %max3A_331 : vector<16xf32>
      tpu.vector_store_idx %arg11[%sub3A_284], %max3A_332 masked %lt3A_285 : memref<31312xf32, #tpu.memory_space<vmem>>[vector<16xi32>], vector<16xf32>, vector<16xi1>
      %mul3A_333 = arith.constant 1.000000e-03 : f32
      %mul3A_334 = vector.broadcast %mul3A_333 : f32 to vector<16xf32>
      %mul3A_335 = arith.mulf %mul3A_334, %sub3A_310 : vector<16xf32>
      %add3A_336 = arith.addf %gather3A_287, %mul3A_335 : vector<16xf32>
      %max3A_337 = arith.constant 0.000000e+00 : f32
      %max3A_338 = vector.broadcast %max3A_337 : f32 to vector<16xf32>
      %max3A_339 = arith.maximumf %add3A_336, %max3A_338 : vector<16xf32>
      tpu.vector_store_idx %arg12[%sub3A_284], %max3A_339 masked %lt3A_285 : memref<31312xf32, #tpu.memory_space<vmem>>[vector<16xi32>], vector<16xf32>, vector<16xi1>
      scf.yield %add3A_319 : vector<16xf32>
    }
    %scan3A_65 = arith.constant 128 : i32
    %dma_wait3A_66 = arith.constant 0 : i32
    %dma_wait3A_67 = arith.constant 0 : i32
    %dma_wait3A_68 = tpu.memref_slice %arg2[%rem3A_26, %dma_wait3A_66, %dma_wait3A_67] : memref<8x4x2048xi32, #tpu.memory_space<hbm>> -> memref<1x4x2048xi32, #tpu.memory_space<hbm>>
    %dma_wait3A_69 = tpu.memref_squeeze %dma_wait3A_68 : memref<1x4x2048xi32, #tpu.memory_space<hbm>> -> memref<4x2048xi32, #tpu.memory_space<hbm>>
    %dma_wait3A_70 = arith.constant 0 : i32
    %dma_wait3A_71 = arith.constant 0 : i32
    %dma_wait3A_72 = tpu.memref_slice %arg2[%rem3A_26, %dma_wait3A_70, %dma_wait3A_71] : memref<8x4x2048xi32, #tpu.memory_space<hbm>> -> memref<1x4x2048xi32, #tpu.memory_space<hbm>>
    %dma_wait3A_73 = tpu.memref_squeeze %dma_wait3A_72 : memref<1x4x2048xi32, #tpu.memory_space<hbm>> -> memref<4x2048xi32, #tpu.memory_space<hbm>>
    tpu.wait_dma2 semaphore(%arg18 : memref<!tpu.dma_semaphore, #tpu.memory_space<semaphore_mem>>) src(%dma_wait3A_73 : memref<4x2048xi32, #tpu.memory_space<hbm>>) dst(%arg14 : memref<4x2048xi32, #tpu.memory_space<vmem>>)
    %add3A_74 = arith.constant 3 : i32
    %add3A_75 = arith.addi %add3A_74, %rem3A_10 : i32
    %rem3A_76 = arith.constant 8 : i32
    %rem3A_77 = arith.remsi %add3A_75, %rem3A_76 : i32
    %dma_start3A_78 = arith.constant 0 : i32
    %dma_start3A_79 = arith.constant 0 : i32
    %dma_start3A_80 = tpu.memref_slice %arg2[%rem3A_77, %dma_start3A_78, %dma_start3A_79] : memref<8x4x2048xi32, #tpu.memory_space<hbm>> -> memref<1x4x2048xi32, #tpu.memory_space<hbm>>
    %dma_start3A_81 = tpu.memref_squeeze %dma_start3A_80 : memref<1x4x2048xi32, #tpu.memory_space<hbm>> -> memref<4x2048xi32, #tpu.memory_space<hbm>>
    %dma_start3A_82 = arith.constant 0 : i32
    %dma_start3A_83 = arith.constant 0 : i32
    %dma_start3A_84 = tpu.memref_slice %arg2[%rem3A_77, %dma_start3A_82, %dma_start3A_83] : memref<8x4x2048xi32, #tpu.memory_space<hbm>> -> memref<1x4x2048xi32, #tpu.memory_space<hbm>>
    %dma_start3A_85 = tpu.memref_squeeze %dma_start3A_84 : memref<1x4x2048xi32, #tpu.memory_space<hbm>> -> memref<4x2048xi32, #tpu.memory_space<hbm>>
    tpu.enqueue_dma source(%dma_start3A_85 : memref<4x2048xi32, #tpu.memory_space<hbm>>) target(%arg13 : memref<4x2048xi32, #tpu.memory_space<vmem>>) target_semaphore(%arg18 : memref<!tpu.dma_semaphore, #tpu.memory_space<semaphore_mem>>)
    %scan3A_86 = arith.constant 0 : i32
    %scan3A_87 = arith.constant 128 : i32
    %scan3A_88 = arith.addi %scan3A_86, %scan3A_87 : i32
    %scan3A_89 = arith.constant 1 : i32
    %scan3A_90 = scf.for %scan3A_277 = %scan3A_86 to %scan3A_88 step %scan3A_89 iter_args(%scan3A_278 = %scan3A_64) -> (vector<16xf32>)  : i32 {
      %mul3A_279 = arith.constant 16 : i32
      %mul3A_280 = arith.muli %scan3A_277, %mul3A_279 : i32
      %get3A = arith.constant 0 : i32
      %get3A_281 = arith.index_cast %get3A : i32 to index
      %get3A_282 = arith.index_cast %mul3A_280 : i32 to index
      %get3A_283 = tpu.vector_load %arg14[%get3A_281, %get3A_282] {strides = array<i32>} : memref<4x2048xi32, #tpu.memory_space<vmem>>, vector<16xi32>,
      %sub3A = vector.broadcast %mul3A_2 : i32 to vector<16xi32>
      %sub3A_284 = arith.subi %get3A_283, %sub3A : vector<16xi32>
      %lt3A = vector.broadcast %select_n3A : i32 to vector<16xi32>
      %lt3A_285 = arith.cmpi ult, %sub3A_284, %lt3A : vector<16xi32>
      %gather3A = tpu.vector_load_idx %arg10[%sub3A_284] masked %lt3A_285 : memref<31312xf32, #tpu.memory_space<vmem>>[vector<16xi32>], vector<16xf32>, vector<16xi1>
      %gather3A_286 = tpu.vector_load_idx %arg11[%sub3A_284] masked %lt3A_285 : memref<31312xf32, #tpu.memory_space<vmem>>[vector<16xi32>], vector<16xf32>, vector<16xi1>
      %gather3A_287 = tpu.vector_load_idx %arg12[%sub3A_284] masked %lt3A_285 : memref<31312xf32, #tpu.memory_space<vmem>>[vector<16xi32>], vector<16xf32>, vector<16xi1>
      %get3A_288 = arith.constant 1 : i32
      %get3A_289 = arith.index_cast %get3A_288 : i32 to index
      %get3A_290 = arith.index_cast %mul3A_280 : i32 to index
      %get3A_291 = tpu.vector_load %arg14[%get3A_289, %get3A_290] {strides = array<i32>} : memref<4x2048xi32, #tpu.memory_space<vmem>>, vector<16xi32>,
      %bitcast3A = vector.bitcast %get3A_291 : vector<16xi32> to vector<16xf32>
      %sub3A_292 = arith.constant 7.600000e-02 : f32
      %sub3A_293 = vector.broadcast %sub3A_292 : f32 to vector<16xf32>
      %sub3A_294 = arith.subf %bitcast3A, %sub3A_293 : vector<16xf32>
      %get3A_295 = arith.constant 2 : i32
      %get3A_296 = arith.index_cast %get3A_295 : i32 to index
      %get3A_297 = arith.index_cast %mul3A_280 : i32 to index
      %get3A_298 = tpu.vector_load %arg14[%get3A_296, %get3A_297] {strides = array<i32>} : memref<4x2048xi32, #tpu.memory_space<vmem>>, vector<16xi32>,
      %bitcast3A_299 = vector.bitcast %get3A_298 : vector<16xi32> to vector<16xf32>
      %sub3A_300 = arith.constant 6.380000e+00 : f32
      %sub3A_301 = vector.broadcast %sub3A_300 : f32 to vector<16xf32>
      %sub3A_302 = arith.subf %bitcast3A_299, %sub3A_301 : vector<16xf32>
      %get3A_303 = arith.constant 3 : i32
      %get3A_304 = arith.index_cast %get3A_303 : i32 to index
      %get3A_305 = arith.index_cast %mul3A_280 : i32 to index
      %get3A_306 = tpu.vector_load %arg14[%get3A_304, %get3A_305] {strides = array<i32>} : memref<4x2048xi32, #tpu.memory_space<vmem>>, vector<16xi32>,
      %bitcast3A_307 = vector.bitcast %get3A_306 : vector<16xi32> to vector<16xf32>
      %sub3A_308 = arith.constant 3.000000e+00 : f32
      %sub3A_309 = vector.broadcast %sub3A_308 : f32 to vector<16xf32>
      %sub3A_310 = arith.subf %bitcast3A_307, %sub3A_309 : vector<16xf32>
      %mul3A_311 = arith.mulf %gather3A, %sub3A_294 : vector<16xf32>
      %mul3A_312 = arith.mulf %gather3A_286, %sub3A_302 : vector<16xf32>
      %add3A_313 = arith.addf %mul3A_311, %mul3A_312 : vector<16xf32>
      %mul3A_314 = arith.mulf %gather3A_287, %sub3A_310 : vector<16xf32>
      %add3A_315 = arith.addf %add3A_313, %mul3A_314 : vector<16xf32>
      %jit3A_316 = arith.constant 0.000000e+00 : f32
      %broadcast_in_dim3A_317 = vector.broadcast %jit3A_316 : f32 to vector<16xf32>
      %select_n3A_318 = arith.select %lt3A_285, %add3A_315, %broadcast_in_dim3A_317 : vector<16xi1>, vector<16xf32>
      %add3A_319 = arith.addf %scan3A_278, %select_n3A_318 : vector<16xf32>
      %mul3A_320 = arith.constant 1.000000e-03 : f32
      %mul3A_321 = vector.broadcast %mul3A_320 : f32 to vector<16xf32>
      %mul3A_322 = arith.mulf %mul3A_321, %sub3A_294 : vector<16xf32>
      %add3A_323 = arith.addf %gather3A, %mul3A_322 : vector<16xf32>
      %max3A = arith.constant 0.000000e+00 : f32
      %max3A_324 = vector.broadcast %max3A : f32 to vector<16xf32>
      %max3A_325 = arith.maximumf %add3A_323, %max3A_324 : vector<16xf32>
      tpu.vector_store_idx %arg10[%sub3A_284], %max3A_325 masked %lt3A_285 : memref<31312xf32, #tpu.memory_space<vmem>>[vector<16xi32>], vector<16xf32>, vector<16xi1>
      %mul3A_326 = arith.constant 1.000000e-03 : f32
      %mul3A_327 = vector.broadcast %mul3A_326 : f32 to vector<16xf32>
      %mul3A_328 = arith.mulf %mul3A_327, %sub3A_302 : vector<16xf32>
      %add3A_329 = arith.addf %gather3A_286, %mul3A_328 : vector<16xf32>
      %max3A_330 = arith.constant 0.000000e+00 : f32
      %max3A_331 = vector.broadcast %max3A_330 : f32 to vector<16xf32>
      %max3A_332 = arith.maximumf %add3A_329, %max3A_331 : vector<16xf32>
      tpu.vector_store_idx %arg11[%sub3A_284], %max3A_332 masked %lt3A_285 : memref<31312xf32, #tpu.memory_space<vmem>>[vector<16xi32>], vector<16xf32>, vector<16xi1>
      %mul3A_333 = arith.constant 1.000000e-03 : f32
      %mul3A_334 = vector.broadcast %mul3A_333 : f32 to vector<16xf32>
      %mul3A_335 = arith.mulf %mul3A_334, %sub3A_310 : vector<16xf32>
      %add3A_336 = arith.addf %gather3A_287, %mul3A_335 : vector<16xf32>
      %max3A_337 = arith.constant 0.000000e+00 : f32
      %max3A_338 = vector.broadcast %max3A_337 : f32 to vector<16xf32>
      %max3A_339 = arith.maximumf %add3A_336, %max3A_338 : vector<16xf32>
      tpu.vector_store_idx %arg12[%sub3A_284], %max3A_339 masked %lt3A_285 : memref<31312xf32, #tpu.memory_space<vmem>>[vector<16xi32>], vector<16xf32>, vector<16xi1>
      scf.yield %add3A_319 : vector<16xf32>
    }
    %scan3A_91 = arith.constant 128 : i32
    %dma_wait3A_92 = arith.constant 0 : i32
    %dma_wait3A_93 = arith.constant 0 : i32
    %dma_wait3A_94 = tpu.memref_slice %arg2[%rem3A_52, %dma_wait3A_92, %dma_wait3A_93] : memref<8x4x2048xi32, #tpu.memory_space<hbm>> -> memref<1x4x2048xi32, #tpu.memory_space<hbm>>
    %dma_wait3A_95 = tpu.memref_squeeze %dma_wait3A_94 : memref<1x4x2048xi32, #tpu.memory_space<hbm>> -> memref<4x2048xi32, #tpu.memory_space<hbm>>
    %dma_wait3A_96 = arith.constant 0 : i32
    %dma_wait3A_97 = arith.constant 0 : i32
    %dma_wait3A_98 = tpu.memref_slice %arg2[%rem3A_52, %dma_wait3A_96, %dma_wait3A_97] : memref<8x4x2048xi32, #tpu.memory_space<hbm>> -> memref<1x4x2048xi32, #tpu.memory_space<hbm>>
    %dma_wait3A_99 = tpu.memref_squeeze %dma_wait3A_98 : memref<1x4x2048xi32, #tpu.memory_space<hbm>> -> memref<4x2048xi32, #tpu.memory_space<hbm>>
    tpu.wait_dma2 semaphore(%arg18 : memref<!tpu.dma_semaphore, #tpu.memory_space<semaphore_mem>>) src(%dma_wait3A_99 : memref<4x2048xi32, #tpu.memory_space<hbm>>) dst(%arg15 : memref<4x2048xi32, #tpu.memory_space<vmem>>)
    %add3A_100 = arith.constant 4 : i32
    %add3A_101 = arith.addi %add3A_100, %rem3A_10 : i32
    %rem3A_102 = arith.constant 8 : i32
    %rem3A_103 = arith.remsi %add3A_101, %rem3A_102 : i32
    %dma_start3A_104 = arith.constant 0 : i32
    %dma_start3A_105 = arith.constant 0 : i32
    %dma_start3A_106 = tpu.memref_slice %arg2[%rem3A_103, %dma_start3A_104, %dma_start3A_105] : memref<8x4x2048xi32, #tpu.memory_space<hbm>> -> memref<1x4x2048xi32, #tpu.memory_space<hbm>>
    %dma_start3A_107 = tpu.memref_squeeze %dma_start3A_106 : memref<1x4x2048xi32, #tpu.memory_space<hbm>> -> memref<4x2048xi32, #tpu.memory_space<hbm>>
    %dma_start3A_108 = arith.constant 0 : i32
    %dma_start3A_109 = arith.constant 0 : i32
    %dma_start3A_110 = tpu.memref_slice %arg2[%rem3A_103, %dma_start3A_108, %dma_start3A_109] : memref<8x4x2048xi32, #tpu.memory_space<hbm>> -> memref<1x4x2048xi32, #tpu.memory_space<hbm>>
    %dma_start3A_111 = tpu.memref_squeeze %dma_start3A_110 : memref<1x4x2048xi32, #tpu.memory_space<hbm>> -> memref<4x2048xi32, #tpu.memory_space<hbm>>
    tpu.enqueue_dma source(%dma_start3A_111 : memref<4x2048xi32, #tpu.memory_space<hbm>>) target(%arg14 : memref<4x2048xi32, #tpu.memory_space<vmem>>) target_semaphore(%arg18 : memref<!tpu.dma_semaphore, #tpu.memory_space<semaphore_mem>>)
    %scan3A_112 = arith.constant 0 : i32
    %scan3A_113 = arith.constant 128 : i32
    %scan3A_114 = arith.addi %scan3A_112, %scan3A_113 : i32
    %scan3A_115 = arith.constant 1 : i32
    %scan3A_116 = scf.for %scan3A_277 = %scan3A_112 to %scan3A_114 step %scan3A_115 iter_args(%scan3A_278 = %scan3A_90) -> (vector<16xf32>)  : i32 {
      %mul3A_279 = arith.constant 16 : i32
      %mul3A_280 = arith.muli %scan3A_277, %mul3A_279 : i32
      %get3A = arith.constant 0 : i32
      %get3A_281 = arith.index_cast %get3A : i32 to index
      %get3A_282 = arith.index_cast %mul3A_280 : i32 to index
      %get3A_283 = tpu.vector_load %arg15[%get3A_281, %get3A_282] {strides = array<i32>} : memref<4x2048xi32, #tpu.memory_space<vmem>>, vector<16xi32>,
      %sub3A = vector.broadcast %mul3A_2 : i32 to vector<16xi32>
      %sub3A_284 = arith.subi %get3A_283, %sub3A : vector<16xi32>
      %lt3A = vector.broadcast %select_n3A : i32 to vector<16xi32>
      %lt3A_285 = arith.cmpi ult, %sub3A_284, %lt3A : vector<16xi32>
      %gather3A = tpu.vector_load_idx %arg10[%sub3A_284] masked %lt3A_285 : memref<31312xf32, #tpu.memory_space<vmem>>[vector<16xi32>], vector<16xf32>, vector<16xi1>
      %gather3A_286 = tpu.vector_load_idx %arg11[%sub3A_284] masked %lt3A_285 : memref<31312xf32, #tpu.memory_space<vmem>>[vector<16xi32>], vector<16xf32>, vector<16xi1>
      %gather3A_287 = tpu.vector_load_idx %arg12[%sub3A_284] masked %lt3A_285 : memref<31312xf32, #tpu.memory_space<vmem>>[vector<16xi32>], vector<16xf32>, vector<16xi1>
      %get3A_288 = arith.constant 1 : i32
      %get3A_289 = arith.index_cast %get3A_288 : i32 to index
      %get3A_290 = arith.index_cast %mul3A_280 : i32 to index
      %get3A_291 = tpu.vector_load %arg15[%get3A_289, %get3A_290] {strides = array<i32>} : memref<4x2048xi32, #tpu.memory_space<vmem>>, vector<16xi32>,
      %bitcast3A = vector.bitcast %get3A_291 : vector<16xi32> to vector<16xf32>
      %sub3A_292 = arith.constant 7.600000e-02 : f32
      %sub3A_293 = vector.broadcast %sub3A_292 : f32 to vector<16xf32>
      %sub3A_294 = arith.subf %bitcast3A, %sub3A_293 : vector<16xf32>
      %get3A_295 = arith.constant 2 : i32
      %get3A_296 = arith.index_cast %get3A_295 : i32 to index
      %get3A_297 = arith.index_cast %mul3A_280 : i32 to index
      %get3A_298 = tpu.vector_load %arg15[%get3A_296, %get3A_297] {strides = array<i32>} : memref<4x2048xi32, #tpu.memory_space<vmem>>, vector<16xi32>,
      %bitcast3A_299 = vector.bitcast %get3A_298 : vector<16xi32> to vector<16xf32>
      %sub3A_300 = arith.constant 6.380000e+00 : f32
      %sub3A_301 = vector.broadcast %sub3A_300 : f32 to vector<16xf32>
      %sub3A_302 = arith.subf %bitcast3A_299, %sub3A_301 : vector<16xf32>
      %get3A_303 = arith.constant 3 : i32
      %get3A_304 = arith.index_cast %get3A_303 : i32 to index
      %get3A_305 = arith.index_cast %mul3A_280 : i32 to index
      %get3A_306 = tpu.vector_load %arg15[%get3A_304, %get3A_305] {strides = array<i32>} : memref<4x2048xi32, #tpu.memory_space<vmem>>, vector<16xi32>,
      %bitcast3A_307 = vector.bitcast %get3A_306 : vector<16xi32> to vector<16xf32>
      %sub3A_308 = arith.constant 3.000000e+00 : f32
      %sub3A_309 = vector.broadcast %sub3A_308 : f32 to vector<16xf32>
      %sub3A_310 = arith.subf %bitcast3A_307, %sub3A_309 : vector<16xf32>
      %mul3A_311 = arith.mulf %gather3A, %sub3A_294 : vector<16xf32>
      %mul3A_312 = arith.mulf %gather3A_286, %sub3A_302 : vector<16xf32>
      %add3A_313 = arith.addf %mul3A_311, %mul3A_312 : vector<16xf32>
      %mul3A_314 = arith.mulf %gather3A_287, %sub3A_310 : vector<16xf32>
      %add3A_315 = arith.addf %add3A_313, %mul3A_314 : vector<16xf32>
      %jit3A_316 = arith.constant 0.000000e+00 : f32
      %broadcast_in_dim3A_317 = vector.broadcast %jit3A_316 : f32 to vector<16xf32>
      %select_n3A_318 = arith.select %lt3A_285, %add3A_315, %broadcast_in_dim3A_317 : vector<16xi1>, vector<16xf32>
      %add3A_319 = arith.addf %scan3A_278, %select_n3A_318 : vector<16xf32>
      %mul3A_320 = arith.constant 1.000000e-03 : f32
      %mul3A_321 = vector.broadcast %mul3A_320 : f32 to vector<16xf32>
      %mul3A_322 = arith.mulf %mul3A_321, %sub3A_294 : vector<16xf32>
      %add3A_323 = arith.addf %gather3A, %mul3A_322 : vector<16xf32>
      %max3A = arith.constant 0.000000e+00 : f32
      %max3A_324 = vector.broadcast %max3A : f32 to vector<16xf32>
      %max3A_325 = arith.maximumf %add3A_323, %max3A_324 : vector<16xf32>
      tpu.vector_store_idx %arg10[%sub3A_284], %max3A_325 masked %lt3A_285 : memref<31312xf32, #tpu.memory_space<vmem>>[vector<16xi32>], vector<16xf32>, vector<16xi1>
      %mul3A_326 = arith.constant 1.000000e-03 : f32
      %mul3A_327 = vector.broadcast %mul3A_326 : f32 to vector<16xf32>
      %mul3A_328 = arith.mulf %mul3A_327, %sub3A_302 : vector<16xf32>
      %add3A_329 = arith.addf %gather3A_286, %mul3A_328 : vector<16xf32>
      %max3A_330 = arith.constant 0.000000e+00 : f32
      %max3A_331 = vector.broadcast %max3A_330 : f32 to vector<16xf32>
      %max3A_332 = arith.maximumf %add3A_329, %max3A_331 : vector<16xf32>
      tpu.vector_store_idx %arg11[%sub3A_284], %max3A_332 masked %lt3A_285 : memref<31312xf32, #tpu.memory_space<vmem>>[vector<16xi32>], vector<16xf32>, vector<16xi1>
      %mul3A_333 = arith.constant 1.000000e-03 : f32
      %mul3A_334 = vector.broadcast %mul3A_333 : f32 to vector<16xf32>
      %mul3A_335 = arith.mulf %mul3A_334, %sub3A_310 : vector<16xf32>
      %add3A_336 = arith.addf %gather3A_287, %mul3A_335 : vector<16xf32>
      %max3A_337 = arith.constant 0.000000e+00 : f32
      %max3A_338 = vector.broadcast %max3A_337 : f32 to vector<16xf32>
      %max3A_339 = arith.maximumf %add3A_336, %max3A_338 : vector<16xf32>
      tpu.vector_store_idx %arg12[%sub3A_284], %max3A_339 masked %lt3A_285 : memref<31312xf32, #tpu.memory_space<vmem>>[vector<16xi32>], vector<16xf32>, vector<16xi1>
      scf.yield %add3A_319 : vector<16xf32>
    }
    %scan3A_117 = arith.constant 128 : i32
    %dma_wait3A_118 = arith.constant 0 : i32
    %dma_wait3A_119 = arith.constant 0 : i32
    %dma_wait3A_120 = tpu.memref_slice %arg2[%rem3A_77, %dma_wait3A_118, %dma_wait3A_119] : memref<8x4x2048xi32, #tpu.memory_space<hbm>> -> memref<1x4x2048xi32, #tpu.memory_space<hbm>>
    %dma_wait3A_121 = tpu.memref_squeeze %dma_wait3A_120 : memref<1x4x2048xi32, #tpu.memory_space<hbm>> -> memref<4x2048xi32, #tpu.memory_space<hbm>>
    %dma_wait3A_122 = arith.constant 0 : i32
    %dma_wait3A_123 = arith.constant 0 : i32
    %dma_wait3A_124 = tpu.memref_slice %arg2[%rem3A_77, %dma_wait3A_122, %dma_wait3A_123] : memref<8x4x2048xi32, #tpu.memory_space<hbm>> -> memref<1x4x2048xi32, #tpu.memory_space<hbm>>
    %dma_wait3A_125 = tpu.memref_squeeze %dma_wait3A_124 : memref<1x4x2048xi32, #tpu.memory_space<hbm>> -> memref<4x2048xi32, #tpu.memory_space<hbm>>
    tpu.wait_dma2 semaphore(%arg18 : memref<!tpu.dma_semaphore, #tpu.memory_space<semaphore_mem>>) src(%dma_wait3A_125 : memref<4x2048xi32, #tpu.memory_space<hbm>>) dst(%arg13 : memref<4x2048xi32, #tpu.memory_space<vmem>>)
    %add3A_126 = arith.constant 5 : i32
    %add3A_127 = arith.addi %add3A_126, %rem3A_10 : i32
    %rem3A_128 = arith.constant 8 : i32
    %rem3A_129 = arith.remsi %add3A_127, %rem3A_128 : i32
    %dma_start3A_130 = arith.constant 0 : i32
    %dma_start3A_131 = arith.constant 0 : i32
    %dma_start3A_132 = tpu.memref_slice %arg2[%rem3A_129, %dma_start3A_130, %dma_start3A_131] : memref<8x4x2048xi32, #tpu.memory_space<hbm>> -> memref<1x4x2048xi32, #tpu.memory_space<hbm>>
    %dma_start3A_133 = tpu.memref_squeeze %dma_start3A_132 : memref<1x4x2048xi32, #tpu.memory_space<hbm>> -> memref<4x2048xi32, #tpu.memory_space<hbm>>
    %dma_start3A_134 = arith.constant 0 : i32
    %dma_start3A_135 = arith.constant 0 : i32
    %dma_start3A_136 = tpu.memref_slice %arg2[%rem3A_129, %dma_start3A_134, %dma_start3A_135] : memref<8x4x2048xi32, #tpu.memory_space<hbm>> -> memref<1x4x2048xi32, #tpu.memory_space<hbm>>
    %dma_start3A_137 = tpu.memref_squeeze %dma_start3A_136 : memref<1x4x2048xi32, #tpu.memory_space<hbm>> -> memref<4x2048xi32, #tpu.memory_space<hbm>>
    tpu.enqueue_dma source(%dma_start3A_137 : memref<4x2048xi32, #tpu.memory_space<hbm>>) target(%arg15 : memref<4x2048xi32, #tpu.memory_space<vmem>>) target_semaphore(%arg18 : memref<!tpu.dma_semaphore, #tpu.memory_space<semaphore_mem>>)
    %scan3A_138 = arith.constant 0 : i32
    %scan3A_139 = arith.constant 128 : i32
    %scan3A_140 = arith.addi %scan3A_138, %scan3A_139 : i32
    %scan3A_141 = arith.constant 1 : i32
    %scan3A_142 = scf.for %scan3A_277 = %scan3A_138 to %scan3A_140 step %scan3A_141 iter_args(%scan3A_278 = %scan3A_116) -> (vector<16xf32>)  : i32 {
      %mul3A_279 = arith.constant 16 : i32
      %mul3A_280 = arith.muli %scan3A_277, %mul3A_279 : i32
      %get3A = arith.constant 0 : i32
      %get3A_281 = arith.index_cast %get3A : i32 to index
      %get3A_282 = arith.index_cast %mul3A_280 : i32 to index
      %get3A_283 = tpu.vector_load %arg13[%get3A_281, %get3A_282] {strides = array<i32>} : memref<4x2048xi32, #tpu.memory_space<vmem>>, vector<16xi32>,
      %sub3A = vector.broadcast %mul3A_2 : i32 to vector<16xi32>
      %sub3A_284 = arith.subi %get3A_283, %sub3A : vector<16xi32>
      %lt3A = vector.broadcast %select_n3A : i32 to vector<16xi32>
      %lt3A_285 = arith.cmpi ult, %sub3A_284, %lt3A : vector<16xi32>
      %gather3A = tpu.vector_load_idx %arg10[%sub3A_284] masked %lt3A_285 : memref<31312xf32, #tpu.memory_space<vmem>>[vector<16xi32>], vector<16xf32>, vector<16xi1>
      %gather3A_286 = tpu.vector_load_idx %arg11[%sub3A_284] masked %lt3A_285 : memref<31312xf32, #tpu.memory_space<vmem>>[vector<16xi32>], vector<16xf32>, vector<16xi1>
      %gather3A_287 = tpu.vector_load_idx %arg12[%sub3A_284] masked %lt3A_285 : memref<31312xf32, #tpu.memory_space<vmem>>[vector<16xi32>], vector<16xf32>, vector<16xi1>
      %get3A_288 = arith.constant 1 : i32
      %get3A_289 = arith.index_cast %get3A_288 : i32 to index
      %get3A_290 = arith.index_cast %mul3A_280 : i32 to index
      %get3A_291 = tpu.vector_load %arg13[%get3A_289, %get3A_290] {strides = array<i32>} : memref<4x2048xi32, #tpu.memory_space<vmem>>, vector<16xi32>,
      %bitcast3A = vector.bitcast %get3A_291 : vector<16xi32> to vector<16xf32>
      %sub3A_292 = arith.constant 7.600000e-02 : f32
      %sub3A_293 = vector.broadcast %sub3A_292 : f32 to vector<16xf32>
      %sub3A_294 = arith.subf %bitcast3A, %sub3A_293 : vector<16xf32>
      %get3A_295 = arith.constant 2 : i32
      %get3A_296 = arith.index_cast %get3A_295 : i32 to index
      %get3A_297 = arith.index_cast %mul3A_280 : i32 to index
      %get3A_298 = tpu.vector_load %arg13[%get3A_296, %get3A_297] {strides = array<i32>} : memref<4x2048xi32, #tpu.memory_space<vmem>>, vector<16xi32>,
      %bitcast3A_299 = vector.bitcast %get3A_298 : vector<16xi32> to vector<16xf32>
      %sub3A_300 = arith.constant 6.380000e+00 : f32
      %sub3A_301 = vector.broadcast %sub3A_300 : f32 to vector<16xf32>
      %sub3A_302 = arith.subf %bitcast3A_299, %sub3A_301 : vector<16xf32>
      %get3A_303 = arith.constant 3 : i32
      %get3A_304 = arith.index_cast %get3A_303 : i32 to index
      %get3A_305 = arith.index_cast %mul3A_280 : i32 to index
      %get3A_306 = tpu.vector_load %arg13[%get3A_304, %get3A_305] {strides = array<i32>} : memref<4x2048xi32, #tpu.memory_space<vmem>>, vector<16xi32>,
      %bitcast3A_307 = vector.bitcast %get3A_306 : vector<16xi32> to vector<16xf32>
      %sub3A_308 = arith.constant 3.000000e+00 : f32
      %sub3A_309 = vector.broadcast %sub3A_308 : f32 to vector<16xf32>
      %sub3A_310 = arith.subf %bitcast3A_307, %sub3A_309 : vector<16xf32>
      %mul3A_311 = arith.mulf %gather3A, %sub3A_294 : vector<16xf32>
      %mul3A_312 = arith.mulf %gather3A_286, %sub3A_302 : vector<16xf32>
      %add3A_313 = arith.addf %mul3A_311, %mul3A_312 : vector<16xf32>
      %mul3A_314 = arith.mulf %gather3A_287, %sub3A_310 : vector<16xf32>
      %add3A_315 = arith.addf %add3A_313, %mul3A_314 : vector<16xf32>
      %jit3A_316 = arith.constant 0.000000e+00 : f32
      %broadcast_in_dim3A_317 = vector.broadcast %jit3A_316 : f32 to vector<16xf32>
      %select_n3A_318 = arith.select %lt3A_285, %add3A_315, %broadcast_in_dim3A_317 : vector<16xi1>, vector<16xf32>
      %add3A_319 = arith.addf %scan3A_278, %select_n3A_318 : vector<16xf32>
      %mul3A_320 = arith.constant 1.000000e-03 : f32
      %mul3A_321 = vector.broadcast %mul3A_320 : f32 to vector<16xf32>
      %mul3A_322 = arith.mulf %mul3A_321, %sub3A_294 : vector<16xf32>
      %add3A_323 = arith.addf %gather3A, %mul3A_322 : vector<16xf32>
      %max3A = arith.constant 0.000000e+00 : f32
      %max3A_324 = vector.broadcast %max3A : f32 to vector<16xf32>
      %max3A_325 = arith.maximumf %add3A_323, %max3A_324 : vector<16xf32>
      tpu.vector_store_idx %arg10[%sub3A_284], %max3A_325 masked %lt3A_285 : memref<31312xf32, #tpu.memory_space<vmem>>[vector<16xi32>], vector<16xf32>, vector<16xi1>
      %mul3A_326 = arith.constant 1.000000e-03 : f32
      %mul3A_327 = vector.broadcast %mul3A_326 : f32 to vector<16xf32>
      %mul3A_328 = arith.mulf %mul3A_327, %sub3A_302 : vector<16xf32>
      %add3A_329 = arith.addf %gather3A_286, %mul3A_328 : vector<16xf32>
      %max3A_330 = arith.constant 0.000000e+00 : f32
      %max3A_331 = vector.broadcast %max3A_330 : f32 to vector<16xf32>
      %max3A_332 = arith.maximumf %add3A_329, %max3A_331 : vector<16xf32>
      tpu.vector_store_idx %arg11[%sub3A_284], %max3A_332 masked %lt3A_285 : memref<31312xf32, #tpu.memory_space<vmem>>[vector<16xi32>], vector<16xf32>, vector<16xi1>
      %mul3A_333 = arith.constant 1.000000e-03 : f32
      %mul3A_334 = vector.broadcast %mul3A_333 : f32 to vector<16xf32>
      %mul3A_335 = arith.mulf %mul3A_334, %sub3A_310 : vector<16xf32>
      %add3A_336 = arith.addf %gather3A_287, %mul3A_335 : vector<16xf32>
      %max3A_337 = arith.constant 0.000000e+00 : f32
      %max3A_338 = vector.broadcast %max3A_337 : f32 to vector<16xf32>
      %max3A_339 = arith.maximumf %add3A_336, %max3A_338 : vector<16xf32>
      tpu.vector_store_idx %arg12[%sub3A_284], %max3A_339 masked %lt3A_285 : memref<31312xf32, #tpu.memory_space<vmem>>[vector<16xi32>], vector<16xf32>, vector<16xi1>
      scf.yield %add3A_319 : vector<16xf32>
    }
    %scan3A_143 = arith.constant 128 : i32
    %dma_wait3A_144 = arith.constant 0 : i32
    %dma_wait3A_145 = arith.constant 0 : i32
    %dma_wait3A_146 = tpu.memref_slice %arg2[%rem3A_103, %dma_wait3A_144, %dma_wait3A_145] : memref<8x4x2048xi32, #tpu.memory_space<hbm>> -> memref<1x4x2048xi32, #tpu.memory_space<hbm>>
    %dma_wait3A_147 = tpu.memref_squeeze %dma_wait3A_146 : memref<1x4x2048xi32, #tpu.memory_space<hbm>> -> memref<4x2048xi32, #tpu.memory_space<hbm>>
    %dma_wait3A_148 = arith.constant 0 : i32
    %dma_wait3A_149 = arith.constant 0 : i32
    %dma_wait3A_150 = tpu.memref_slice %arg2[%rem3A_103, %dma_wait3A_148, %dma_wait3A_149] : memref<8x4x2048xi32, #tpu.memory_space<hbm>> -> memref<1x4x2048xi32, #tpu.memory_space<hbm>>
    %dma_wait3A_151 = tpu.memref_squeeze %dma_wait3A_150 : memref<1x4x2048xi32, #tpu.memory_space<hbm>> -> memref<4x2048xi32, #tpu.memory_space<hbm>>
    tpu.wait_dma2 semaphore(%arg18 : memref<!tpu.dma_semaphore, #tpu.memory_space<semaphore_mem>>) src(%dma_wait3A_151 : memref<4x2048xi32, #tpu.memory_space<hbm>>) dst(%arg14 : memref<4x2048xi32, #tpu.memory_space<vmem>>)
    %add3A_152 = arith.constant 6 : i32
    %add3A_153 = arith.addi %add3A_152, %rem3A_10 : i32
    %rem3A_154 = arith.constant 8 : i32
    %rem3A_155 = arith.remsi %add3A_153, %rem3A_154 : i32
    %dma_start3A_156 = arith.constant 0 : i32
    %dma_start3A_157 = arith.constant 0 : i32
    %dma_start3A_158 = tpu.memref_slice %arg2[%rem3A_155, %dma_start3A_156, %dma_start3A_157] : memref<8x4x2048xi32, #tpu.memory_space<hbm>> -> memref<1x4x2048xi32, #tpu.memory_space<hbm>>
    %dma_start3A_159 = tpu.memref_squeeze %dma_start3A_158 : memref<1x4x2048xi32, #tpu.memory_space<hbm>> -> memref<4x2048xi32, #tpu.memory_space<hbm>>
    %dma_start3A_160 = arith.constant 0 : i32
    %dma_start3A_161 = arith.constant 0 : i32
    %dma_start3A_162 = tpu.memref_slice %arg2[%rem3A_155, %dma_start3A_160, %dma_start3A_161] : memref<8x4x2048xi32, #tpu.memory_space<hbm>> -> memref<1x4x2048xi32, #tpu.memory_space<hbm>>
    %dma_start3A_163 = tpu.memref_squeeze %dma_start3A_162 : memref<1x4x2048xi32, #tpu.memory_space<hbm>> -> memref<4x2048xi32, #tpu.memory_space<hbm>>
    tpu.enqueue_dma source(%dma_start3A_163 : memref<4x2048xi32, #tpu.memory_space<hbm>>) target(%arg13 : memref<4x2048xi32, #tpu.memory_space<vmem>>) target_semaphore(%arg18 : memref<!tpu.dma_semaphore, #tpu.memory_space<semaphore_mem>>)
    %scan3A_164 = arith.constant 0 : i32
    %scan3A_165 = arith.constant 128 : i32
    %scan3A_166 = arith.addi %scan3A_164, %scan3A_165 : i32
    %scan3A_167 = arith.constant 1 : i32
    %scan3A_168 = scf.for %scan3A_277 = %scan3A_164 to %scan3A_166 step %scan3A_167 iter_args(%scan3A_278 = %scan3A_142) -> (vector<16xf32>)  : i32 {
      %mul3A_279 = arith.constant 16 : i32
      %mul3A_280 = arith.muli %scan3A_277, %mul3A_279 : i32
      %get3A = arith.constant 0 : i32
      %get3A_281 = arith.index_cast %get3A : i32 to index
      %get3A_282 = arith.index_cast %mul3A_280 : i32 to index
      %get3A_283 = tpu.vector_load %arg14[%get3A_281, %get3A_282] {strides = array<i32>} : memref<4x2048xi32, #tpu.memory_space<vmem>>, vector<16xi32>,
      %sub3A = vector.broadcast %mul3A_2 : i32 to vector<16xi32>
      %sub3A_284 = arith.subi %get3A_283, %sub3A : vector<16xi32>
      %lt3A = vector.broadcast %select_n3A : i32 to vector<16xi32>
      %lt3A_285 = arith.cmpi ult, %sub3A_284, %lt3A : vector<16xi32>
      %gather3A = tpu.vector_load_idx %arg10[%sub3A_284] masked %lt3A_285 : memref<31312xf32, #tpu.memory_space<vmem>>[vector<16xi32>], vector<16xf32>, vector<16xi1>
      %gather3A_286 = tpu.vector_load_idx %arg11[%sub3A_284] masked %lt3A_285 : memref<31312xf32, #tpu.memory_space<vmem>>[vector<16xi32>], vector<16xf32>, vector<16xi1>
      %gather3A_287 = tpu.vector_load_idx %arg12[%sub3A_284] masked %lt3A_285 : memref<31312xf32, #tpu.memory_space<vmem>>[vector<16xi32>], vector<16xf32>, vector<16xi1>
      %get3A_288 = arith.constant 1 : i32
      %get3A_289 = arith.index_cast %get3A_288 : i32 to index
      %get3A_290 = arith.index_cast %mul3A_280 : i32 to index
      %get3A_291 = tpu.vector_load %arg14[%get3A_289, %get3A_290] {strides = array<i32>} : memref<4x2048xi32, #tpu.memory_space<vmem>>, vector<16xi32>,
      %bitcast3A = vector.bitcast %get3A_291 : vector<16xi32> to vector<16xf32>
      %sub3A_292 = arith.constant 7.600000e-02 : f32
      %sub3A_293 = vector.broadcast %sub3A_292 : f32 to vector<16xf32>
      %sub3A_294 = arith.subf %bitcast3A, %sub3A_293 : vector<16xf32>
      %get3A_295 = arith.constant 2 : i32
      %get3A_296 = arith.index_cast %get3A_295 : i32 to index
      %get3A_297 = arith.index_cast %mul3A_280 : i32 to index
      %get3A_298 = tpu.vector_load %arg14[%get3A_296, %get3A_297] {strides = array<i32>} : memref<4x2048xi32, #tpu.memory_space<vmem>>, vector<16xi32>,
      %bitcast3A_299 = vector.bitcast %get3A_298 : vector<16xi32> to vector<16xf32>
      %sub3A_300 = arith.constant 6.380000e+00 : f32
      %sub3A_301 = vector.broadcast %sub3A_300 : f32 to vector<16xf32>
      %sub3A_302 = arith.subf %bitcast3A_299, %sub3A_301 : vector<16xf32>
      %get3A_303 = arith.constant 3 : i32
      %get3A_304 = arith.index_cast %get3A_303 : i32 to index
      %get3A_305 = arith.index_cast %mul3A_280 : i32 to index
      %get3A_306 = tpu.vector_load %arg14[%get3A_304, %get3A_305] {strides = array<i32>} : memref<4x2048xi32, #tpu.memory_space<vmem>>, vector<16xi32>,
      %bitcast3A_307 = vector.bitcast %get3A_306 : vector<16xi32> to vector<16xf32>
      %sub3A_308 = arith.constant 3.000000e+00 : f32
      %sub3A_309 = vector.broadcast %sub3A_308 : f32 to vector<16xf32>
      %sub3A_310 = arith.subf %bitcast3A_307, %sub3A_309 : vector<16xf32>
      %mul3A_311 = arith.mulf %gather3A, %sub3A_294 : vector<16xf32>
      %mul3A_312 = arith.mulf %gather3A_286, %sub3A_302 : vector<16xf32>
      %add3A_313 = arith.addf %mul3A_311, %mul3A_312 : vector<16xf32>
      %mul3A_314 = arith.mulf %gather3A_287, %sub3A_310 : vector<16xf32>
      %add3A_315 = arith.addf %add3A_313, %mul3A_314 : vector<16xf32>
      %jit3A_316 = arith.constant 0.000000e+00 : f32
      %broadcast_in_dim3A_317 = vector.broadcast %jit3A_316 : f32 to vector<16xf32>
      %select_n3A_318 = arith.select %lt3A_285, %add3A_315, %broadcast_in_dim3A_317 : vector<16xi1>, vector<16xf32>
      %add3A_319 = arith.addf %scan3A_278, %select_n3A_318 : vector<16xf32>
      %mul3A_320 = arith.constant 1.000000e-03 : f32
      %mul3A_321 = vector.broadcast %mul3A_320 : f32 to vector<16xf32>
      %mul3A_322 = arith.mulf %mul3A_321, %sub3A_294 : vector<16xf32>
      %add3A_323 = arith.addf %gather3A, %mul3A_322 : vector<16xf32>
      %max3A = arith.constant 0.000000e+00 : f32
      %max3A_324 = vector.broadcast %max3A : f32 to vector<16xf32>
      %max3A_325 = arith.maximumf %add3A_323, %max3A_324 : vector<16xf32>
      tpu.vector_store_idx %arg10[%sub3A_284], %max3A_325 masked %lt3A_285 : memref<31312xf32, #tpu.memory_space<vmem>>[vector<16xi32>], vector<16xf32>, vector<16xi1>
      %mul3A_326 = arith.constant 1.000000e-03 : f32
      %mul3A_327 = vector.broadcast %mul3A_326 : f32 to vector<16xf32>
      %mul3A_328 = arith.mulf %mul3A_327, %sub3A_302 : vector<16xf32>
      %add3A_329 = arith.addf %gather3A_286, %mul3A_328 : vector<16xf32>
      %max3A_330 = arith.constant 0.000000e+00 : f32
      %max3A_331 = vector.broadcast %max3A_330 : f32 to vector<16xf32>
      %max3A_332 = arith.maximumf %add3A_329, %max3A_331 : vector<16xf32>
      tpu.vector_store_idx %arg11[%sub3A_284], %max3A_332 masked %lt3A_285 : memref<31312xf32, #tpu.memory_space<vmem>>[vector<16xi32>], vector<16xf32>, vector<16xi1>
      %mul3A_333 = arith.constant 1.000000e-03 : f32
      %mul3A_334 = vector.broadcast %mul3A_333 : f32 to vector<16xf32>
      %mul3A_335 = arith.mulf %mul3A_334, %sub3A_310 : vector<16xf32>
      %add3A_336 = arith.addf %gather3A_287, %mul3A_335 : vector<16xf32>
      %max3A_337 = arith.constant 0.000000e+00 : f32
      %max3A_338 = vector.broadcast %max3A_337 : f32 to vector<16xf32>
      %max3A_339 = arith.maximumf %add3A_336, %max3A_338 : vector<16xf32>
      tpu.vector_store_idx %arg12[%sub3A_284], %max3A_339 masked %lt3A_285 : memref<31312xf32, #tpu.memory_space<vmem>>[vector<16xi32>], vector<16xf32>, vector<16xi1>
      scf.yield %add3A_319 : vector<16xf32>
    }
    %scan3A_169 = arith.constant 128 : i32
    %dma_wait3A_170 = arith.constant 0 : i32
    %dma_wait3A_171 = arith.constant 0 : i32
    %dma_wait3A_172 = tpu.memref_slice %arg2[%rem3A_129, %dma_wait3A_170, %dma_wait3A_171] : memref<8x4x2048xi32, #tpu.memory_space<hbm>> -> memref<1x4x2048xi32, #tpu.memory_space<hbm>>
    %dma_wait3A_173 = tpu.memref_squeeze %dma_wait3A_172 : memref<1x4x2048xi32, #tpu.memory_space<hbm>> -> memref<4x2048xi32, #tpu.memory_space<hbm>>
    %dma_wait3A_174 = arith.constant 0 : i32
    %dma_wait3A_175 = arith.constant 0 : i32
    %dma_wait3A_176 = tpu.memref_slice %arg2[%rem3A_129, %dma_wait3A_174, %dma_wait3A_175] : memref<8x4x2048xi32, #tpu.memory_space<hbm>> -> memref<1x4x2048xi32, #tpu.memory_space<hbm>>
    %dma_wait3A_177 = tpu.memref_squeeze %dma_wait3A_176 : memref<1x4x2048xi32, #tpu.memory_space<hbm>> -> memref<4x2048xi32, #tpu.memory_space<hbm>>
    tpu.wait_dma2 semaphore(%arg18 : memref<!tpu.dma_semaphore, #tpu.memory_space<semaphore_mem>>) src(%dma_wait3A_177 : memref<4x2048xi32, #tpu.memory_space<hbm>>) dst(%arg15 : memref<4x2048xi32, #tpu.memory_space<vmem>>)
    %add3A_178 = arith.constant 7 : i32
    %add3A_179 = arith.addi %add3A_178, %rem3A_10 : i32
    %rem3A_180 = arith.constant 8 : i32
    %rem3A_181 = arith.remsi %add3A_179, %rem3A_180 : i32
    %dma_start3A_182 = arith.constant 0 : i32
    %dma_start3A_183 = arith.constant 0 : i32
    %dma_start3A_184 = tpu.memref_slice %arg2[%rem3A_181, %dma_start3A_182, %dma_start3A_183] : memref<8x4x2048xi32, #tpu.memory_space<hbm>> -> memref<1x4x2048xi32, #tpu.memory_space<hbm>>
    %dma_start3A_185 = tpu.memref_squeeze %dma_start3A_184 : memref<1x4x2048xi32, #tpu.memory_space<hbm>> -> memref<4x2048xi32, #tpu.memory_space<hbm>>
    %dma_start3A_186 = arith.constant 0 : i32
    %dma_start3A_187 = arith.constant 0 : i32
    %dma_start3A_188 = tpu.memref_slice %arg2[%rem3A_181, %dma_start3A_186, %dma_start3A_187] : memref<8x4x2048xi32, #tpu.memory_space<hbm>> -> memref<1x4x2048xi32, #tpu.memory_space<hbm>>
    %dma_start3A_189 = tpu.memref_squeeze %dma_start3A_188 : memref<1x4x2048xi32, #tpu.memory_space<hbm>> -> memref<4x2048xi32, #tpu.memory_space<hbm>>
    tpu.enqueue_dma source(%dma_start3A_189 : memref<4x2048xi32, #tpu.memory_space<hbm>>) target(%arg14 : memref<4x2048xi32, #tpu.memory_space<vmem>>) target_semaphore(%arg18 : memref<!tpu.dma_semaphore, #tpu.memory_space<semaphore_mem>>)
    %scan3A_190 = arith.constant 0 : i32
    %scan3A_191 = arith.constant 128 : i32
    %scan3A_192 = arith.addi %scan3A_190, %scan3A_191 : i32
    %scan3A_193 = arith.constant 1 : i32
    %scan3A_194 = scf.for %scan3A_277 = %scan3A_190 to %scan3A_192 step %scan3A_193 iter_args(%scan3A_278 = %scan3A_168) -> (vector<16xf32>)  : i32 {
      %mul3A_279 = arith.constant 16 : i32
      %mul3A_280 = arith.muli %scan3A_277, %mul3A_279 : i32
      %get3A = arith.constant 0 : i32
      %get3A_281 = arith.index_cast %get3A : i32 to index
      %get3A_282 = arith.index_cast %mul3A_280 : i32 to index
      %get3A_283 = tpu.vector_load %arg15[%get3A_281, %get3A_282] {strides = array<i32>} : memref<4x2048xi32, #tpu.memory_space<vmem>>, vector<16xi32>,
      %sub3A = vector.broadcast %mul3A_2 : i32 to vector<16xi32>
      %sub3A_284 = arith.subi %get3A_283, %sub3A : vector<16xi32>
      %lt3A = vector.broadcast %select_n3A : i32 to vector<16xi32>
      %lt3A_285 = arith.cmpi ult, %sub3A_284, %lt3A : vector<16xi32>
      %gather3A = tpu.vector_load_idx %arg10[%sub3A_284] masked %lt3A_285 : memref<31312xf32, #tpu.memory_space<vmem>>[vector<16xi32>], vector<16xf32>, vector<16xi1>
      %gather3A_286 = tpu.vector_load_idx %arg11[%sub3A_284] masked %lt3A_285 : memref<31312xf32, #tpu.memory_space<vmem>>[vector<16xi32>], vector<16xf32>, vector<16xi1>
      %gather3A_287 = tpu.vector_load_idx %arg12[%sub3A_284] masked %lt3A_285 : memref<31312xf32, #tpu.memory_space<vmem>>[vector<16xi32>], vector<16xf32>, vector<16xi1>
      %get3A_288 = arith.constant 1 : i32
      %get3A_289 = arith.index_cast %get3A_288 : i32 to index
      %get3A_290 = arith.index_cast %mul3A_280 : i32 to index
      %get3A_291 = tpu.vector_load %arg15[%get3A_289, %get3A_290] {strides = array<i32>} : memref<4x2048xi32, #tpu.memory_space<vmem>>, vector<16xi32>,
      %bitcast3A = vector.bitcast %get3A_291 : vector<16xi32> to vector<16xf32>
      %sub3A_292 = arith.constant 7.600000e-02 : f32
      %sub3A_293 = vector.broadcast %sub3A_292 : f32 to vector<16xf32>
      %sub3A_294 = arith.subf %bitcast3A, %sub3A_293 : vector<16xf32>
      %get3A_295 = arith.constant 2 : i32
      %get3A_296 = arith.index_cast %get3A_295 : i32 to index
      %get3A_297 = arith.index_cast %mul3A_280 : i32 to index
      %get3A_298 = tpu.vector_load %arg15[%get3A_296, %get3A_297] {strides = array<i32>} : memref<4x2048xi32, #tpu.memory_space<vmem>>, vector<16xi32>,
      %bitcast3A_299 = vector.bitcast %get3A_298 : vector<16xi32> to vector<16xf32>
      %sub3A_300 = arith.constant 6.380000e+00 : f32
      %sub3A_301 = vector.broadcast %sub3A_300 : f32 to vector<16xf32>
      %sub3A_302 = arith.subf %bitcast3A_299, %sub3A_301 : vector<16xf32>
      %get3A_303 = arith.constant 3 : i32
      %get3A_304 = arith.index_cast %get3A_303 : i32 to index
      %get3A_305 = arith.index_cast %mul3A_280 : i32 to index
      %get3A_306 = tpu.vector_load %arg15[%get3A_304, %get3A_305] {strides = array<i32>} : memref<4x2048xi32, #tpu.memory_space<vmem>>, vector<16xi32>,
      %bitcast3A_307 = vector.bitcast %get3A_306 : vector<16xi32> to vector<16xf32>
      %sub3A_308 = arith.constant 3.000000e+00 : f32
      %sub3A_309 = vector.broadcast %sub3A_308 : f32 to vector<16xf32>
      %sub3A_310 = arith.subf %bitcast3A_307, %sub3A_309 : vector<16xf32>
      %mul3A_311 = arith.mulf %gather3A, %sub3A_294 : vector<16xf32>
      %mul3A_312 = arith.mulf %gather3A_286, %sub3A_302 : vector<16xf32>
      %add3A_313 = arith.addf %mul3A_311, %mul3A_312 : vector<16xf32>
      %mul3A_314 = arith.mulf %gather3A_287, %sub3A_310 : vector<16xf32>
      %add3A_315 = arith.addf %add3A_313, %mul3A_314 : vector<16xf32>
      %jit3A_316 = arith.constant 0.000000e+00 : f32
      %broadcast_in_dim3A_317 = vector.broadcast %jit3A_316 : f32 to vector<16xf32>
      %select_n3A_318 = arith.select %lt3A_285, %add3A_315, %broadcast_in_dim3A_317 : vector<16xi1>, vector<16xf32>
      %add3A_319 = arith.addf %scan3A_278, %select_n3A_318 : vector<16xf32>
      %mul3A_320 = arith.constant 1.000000e-03 : f32
      %mul3A_321 = vector.broadcast %mul3A_320 : f32 to vector<16xf32>
      %mul3A_322 = arith.mulf %mul3A_321, %sub3A_294 : vector<16xf32>
      %add3A_323 = arith.addf %gather3A, %mul3A_322 : vector<16xf32>
      %max3A = arith.constant 0.000000e+00 : f32
      %max3A_324 = vector.broadcast %max3A : f32 to vector<16xf32>
      %max3A_325 = arith.maximumf %add3A_323, %max3A_324 : vector<16xf32>
      tpu.vector_store_idx %arg10[%sub3A_284], %max3A_325 masked %lt3A_285 : memref<31312xf32, #tpu.memory_space<vmem>>[vector<16xi32>], vector<16xf32>, vector<16xi1>
      %mul3A_326 = arith.constant 1.000000e-03 : f32
      %mul3A_327 = vector.broadcast %mul3A_326 : f32 to vector<16xf32>
      %mul3A_328 = arith.mulf %mul3A_327, %sub3A_302 : vector<16xf32>
      %add3A_329 = arith.addf %gather3A_286, %mul3A_328 : vector<16xf32>
      %max3A_330 = arith.constant 0.000000e+00 : f32
      %max3A_331 = vector.broadcast %max3A_330 : f32 to vector<16xf32>
      %max3A_332 = arith.maximumf %add3A_329, %max3A_331 : vector<16xf32>
      tpu.vector_store_idx %arg11[%sub3A_284], %max3A_332 masked %lt3A_285 : memref<31312xf32, #tpu.memory_space<vmem>>[vector<16xi32>], vector<16xf32>, vector<16xi1>
      %mul3A_333 = arith.constant 1.000000e-03 : f32
      %mul3A_334 = vector.broadcast %mul3A_333 : f32 to vector<16xf32>
      %mul3A_335 = arith.mulf %mul3A_334, %sub3A_310 : vector<16xf32>
      %add3A_336 = arith.addf %gather3A_287, %mul3A_335 : vector<16xf32>
      %max3A_337 = arith.constant 0.000000e+00 : f32
      %max3A_338 = vector.broadcast %max3A_337 : f32 to vector<16xf32>
      %max3A_339 = arith.maximumf %add3A_336, %max3A_338 : vector<16xf32>
      tpu.vector_store_idx %arg12[%sub3A_284], %max3A_339 masked %lt3A_285 : memref<31312xf32, #tpu.memory_space<vmem>>[vector<16xi32>], vector<16xf32>, vector<16xi1>
      scf.yield %add3A_319 : vector<16xf32>
    }
    %scan3A_195 = arith.constant 128 : i32
    %dma_wait3A_196 = arith.constant 0 : i32
    %dma_wait3A_197 = arith.constant 0 : i32
    %dma_wait3A_198 = tpu.memref_slice %arg2[%rem3A_155, %dma_wait3A_196, %dma_wait3A_197] : memref<8x4x2048xi32, #tpu.memory_space<hbm>> -> memref<1x4x2048xi32, #tpu.memory_space<hbm>>
    %dma_wait3A_199 = tpu.memref_squeeze %dma_wait3A_198 : memref<1x4x2048xi32, #tpu.memory_space<hbm>> -> memref<4x2048xi32, #tpu.memory_space<hbm>>
    %dma_wait3A_200 = arith.constant 0 : i32
    %dma_wait3A_201 = arith.constant 0 : i32
    %dma_wait3A_202 = tpu.memref_slice %arg2[%rem3A_155, %dma_wait3A_200, %dma_wait3A_201] : memref<8x4x2048xi32, #tpu.memory_space<hbm>> -> memref<1x4x2048xi32, #tpu.memory_space<hbm>>
    %dma_wait3A_203 = tpu.memref_squeeze %dma_wait3A_202 : memref<1x4x2048xi32, #tpu.memory_space<hbm>> -> memref<4x2048xi32, #tpu.memory_space<hbm>>
    tpu.wait_dma2 semaphore(%arg18 : memref<!tpu.dma_semaphore, #tpu.memory_space<semaphore_mem>>) src(%dma_wait3A_203 : memref<4x2048xi32, #tpu.memory_space<hbm>>) dst(%arg13 : memref<4x2048xi32, #tpu.memory_space<vmem>>)
    %scan3A_204 = arith.constant 0 : i32
    %scan3A_205 = arith.constant 128 : i32
    %scan3A_206 = arith.addi %scan3A_204, %scan3A_205 : i32
    %scan3A_207 = arith.constant 1 : i32
    %scan3A_208 = scf.for %scan3A_277 = %scan3A_204 to %scan3A_206 step %scan3A_207 iter_args(%scan3A_278 = %scan3A_194) -> (vector<16xf32>)  : i32 {
      %mul3A_279 = arith.constant 16 : i32
      %mul3A_280 = arith.muli %scan3A_277, %mul3A_279 : i32
      %get3A = arith.constant 0 : i32
      %get3A_281 = arith.index_cast %get3A : i32 to index
      %get3A_282 = arith.index_cast %mul3A_280 : i32 to index
      %get3A_283 = tpu.vector_load %arg13[%get3A_281, %get3A_282] {strides = array<i32>} : memref<4x2048xi32, #tpu.memory_space<vmem>>, vector<16xi32>,
      %sub3A = vector.broadcast %mul3A_2 : i32 to vector<16xi32>
      %sub3A_284 = arith.subi %get3A_283, %sub3A : vector<16xi32>
      %lt3A = vector.broadcast %select_n3A : i32 to vector<16xi32>
      %lt3A_285 = arith.cmpi ult, %sub3A_284, %lt3A : vector<16xi32>
      %gather3A = tpu.vector_load_idx %arg10[%sub3A_284] masked %lt3A_285 : memref<31312xf32, #tpu.memory_space<vmem>>[vector<16xi32>], vector<16xf32>, vector<16xi1>
      %gather3A_286 = tpu.vector_load_idx %arg11[%sub3A_284] masked %lt3A_285 : memref<31312xf32, #tpu.memory_space<vmem>>[vector<16xi32>], vector<16xf32>, vector<16xi1>
      %gather3A_287 = tpu.vector_load_idx %arg12[%sub3A_284] masked %lt3A_285 : memref<31312xf32, #tpu.memory_space<vmem>>[vector<16xi32>], vector<16xf32>, vector<16xi1>
      %get3A_288 = arith.constant 1 : i32
      %get3A_289 = arith.index_cast %get3A_288 : i32 to index
      %get3A_290 = arith.index_cast %mul3A_280 : i32 to index
      %get3A_291 = tpu.vector_load %arg13[%get3A_289, %get3A_290] {strides = array<i32>} : memref<4x2048xi32, #tpu.memory_space<vmem>>, vector<16xi32>,
      %bitcast3A = vector.bitcast %get3A_291 : vector<16xi32> to vector<16xf32>
      %sub3A_292 = arith.constant 7.600000e-02 : f32
      %sub3A_293 = vector.broadcast %sub3A_292 : f32 to vector<16xf32>
      %sub3A_294 = arith.subf %bitcast3A, %sub3A_293 : vector<16xf32>
      %get3A_295 = arith.constant 2 : i32
      %get3A_296 = arith.index_cast %get3A_295 : i32 to index
      %get3A_297 = arith.index_cast %mul3A_280 : i32 to index
      %get3A_298 = tpu.vector_load %arg13[%get3A_296, %get3A_297] {strides = array<i32>} : memref<4x2048xi32, #tpu.memory_space<vmem>>, vector<16xi32>,
      %bitcast3A_299 = vector.bitcast %get3A_298 : vector<16xi32> to vector<16xf32>
      %sub3A_300 = arith.constant 6.380000e+00 : f32
      %sub3A_301 = vector.broadcast %sub3A_300 : f32 to vector<16xf32>
      %sub3A_302 = arith.subf %bitcast3A_299, %sub3A_301 : vector<16xf32>
      %get3A_303 = arith.constant 3 : i32
      %get3A_304 = arith.index_cast %get3A_303 : i32 to index
      %get3A_305 = arith.index_cast %mul3A_280 : i32 to index
      %get3A_306 = tpu.vector_load %arg13[%get3A_304, %get3A_305] {strides = array<i32>} : memref<4x2048xi32, #tpu.memory_space<vmem>>, vector<16xi32>,
      %bitcast3A_307 = vector.bitcast %get3A_306 : vector<16xi32> to vector<16xf32>
      %sub3A_308 = arith.constant 3.000000e+00 : f32
      %sub3A_309 = vector.broadcast %sub3A_308 : f32 to vector<16xf32>
      %sub3A_310 = arith.subf %bitcast3A_307, %sub3A_309 : vector<16xf32>
      %mul3A_311 = arith.mulf %gather3A, %sub3A_294 : vector<16xf32>
      %mul3A_312 = arith.mulf %gather3A_286, %sub3A_302 : vector<16xf32>
      %add3A_313 = arith.addf %mul3A_311, %mul3A_312 : vector<16xf32>
      %mul3A_314 = arith.mulf %gather3A_287, %sub3A_310 : vector<16xf32>
      %add3A_315 = arith.addf %add3A_313, %mul3A_314 : vector<16xf32>
      %jit3A_316 = arith.constant 0.000000e+00 : f32
      %broadcast_in_dim3A_317 = vector.broadcast %jit3A_316 : f32 to vector<16xf32>
      %select_n3A_318 = arith.select %lt3A_285, %add3A_315, %broadcast_in_dim3A_317 : vector<16xi1>, vector<16xf32>
      %add3A_319 = arith.addf %scan3A_278, %select_n3A_318 : vector<16xf32>
      %mul3A_320 = arith.constant 1.000000e-03 : f32
      %mul3A_321 = vector.broadcast %mul3A_320 : f32 to vector<16xf32>
      %mul3A_322 = arith.mulf %mul3A_321, %sub3A_294 : vector<16xf32>
      %add3A_323 = arith.addf %gather3A, %mul3A_322 : vector<16xf32>
      %max3A = arith.constant 0.000000e+00 : f32
      %max3A_324 = vector.broadcast %max3A : f32 to vector<16xf32>
      %max3A_325 = arith.maximumf %add3A_323, %max3A_324 : vector<16xf32>
      tpu.vector_store_idx %arg10[%sub3A_284], %max3A_325 masked %lt3A_285 : memref<31312xf32, #tpu.memory_space<vmem>>[vector<16xi32>], vector<16xf32>, vector<16xi1>
      %mul3A_326 = arith.constant 1.000000e-03 : f32
      %mul3A_327 = vector.broadcast %mul3A_326 : f32 to vector<16xf32>
      %mul3A_328 = arith.mulf %mul3A_327, %sub3A_302 : vector<16xf32>
      %add3A_329 = arith.addf %gather3A_286, %mul3A_328 : vector<16xf32>
      %max3A_330 = arith.constant 0.000000e+00 : f32
      %max3A_331 = vector.broadcast %max3A_330 : f32 to vector<16xf32>
      %max3A_332 = arith.maximumf %add3A_329, %max3A_331 : vector<16xf32>
      tpu.vector_store_idx %arg11[%sub3A_284], %max3A_332 masked %lt3A_285 : memref<31312xf32, #tpu.memory_space<vmem>>[vector<16xi32>], vector<16xf32>, vector<16xi1>
      %mul3A_333 = arith.constant 1.000000e-03 : f32
      %mul3A_334 = vector.broadcast %mul3A_333 : f32 to vector<16xf32>
      %mul3A_335 = arith.mulf %mul3A_334, %sub3A_310 : vector<16xf32>
      %add3A_336 = arith.addf %gather3A_287, %mul3A_335 : vector<16xf32>
      %max3A_337 = arith.constant 0.000000e+00 : f32
      %max3A_338 = vector.broadcast %max3A_337 : f32 to vector<16xf32>
      %max3A_339 = arith.maximumf %add3A_336, %max3A_338 : vector<16xf32>
      tpu.vector_store_idx %arg12[%sub3A_284], %max3A_339 masked %lt3A_285 : memref<31312xf32, #tpu.memory_space<vmem>>[vector<16xi32>], vector<16xf32>, vector<16xi1>
      scf.yield %add3A_319 : vector<16xf32>
    }
    %scan3A_209 = arith.constant 128 : i32
    %dma_wait3A_210 = arith.constant 0 : i32
    %dma_wait3A_211 = arith.constant 0 : i32
    %dma_wait3A_212 = tpu.memref_slice %arg2[%rem3A_181, %dma_wait3A_210, %dma_wait3A_211] : memref<8x4x2048xi32, #tpu.memory_space<hbm>> -> memref<1x4x2048xi32, #tpu.memory_space<hbm>>
    %dma_wait3A_213 = tpu.memref_squeeze %dma_wait3A_212 : memref<1x4x2048xi32, #tpu.memory_space<hbm>> -> memref<4x2048xi32, #tpu.memory_space<hbm>>
    %dma_wait3A_214 = arith.constant 0 : i32
    %dma_wait3A_215 = arith.constant 0 : i32
    %dma_wait3A_216 = tpu.memref_slice %arg2[%rem3A_181, %dma_wait3A_214, %dma_wait3A_215] : memref<8x4x2048xi32, #tpu.memory_space<hbm>> -> memref<1x4x2048xi32, #tpu.memory_space<hbm>>
    %dma_wait3A_217 = tpu.memref_squeeze %dma_wait3A_216 : memref<1x4x2048xi32, #tpu.memory_space<hbm>> -> memref<4x2048xi32, #tpu.memory_space<hbm>>
    tpu.wait_dma2 semaphore(%arg18 : memref<!tpu.dma_semaphore, #tpu.memory_space<semaphore_mem>>) src(%dma_wait3A_217 : memref<4x2048xi32, #tpu.memory_space<hbm>>) dst(%arg14 : memref<4x2048xi32, #tpu.memory_space<vmem>>)
    %scan3A_218 = arith.constant 0 : i32
    %scan3A_219 = arith.constant 128 : i32
    %scan3A_220 = arith.addi %scan3A_218, %scan3A_219 : i32
    %scan3A_221 = arith.constant 1 : i32
    %scan3A_222 = scf.for %scan3A_277 = %scan3A_218 to %scan3A_220 step %scan3A_221 iter_args(%scan3A_278 = %scan3A_208) -> (vector<16xf32>)  : i32 {
      %mul3A_279 = arith.constant 16 : i32
      %mul3A_280 = arith.muli %scan3A_277, %mul3A_279 : i32
      %get3A = arith.constant 0 : i32
      %get3A_281 = arith.index_cast %get3A : i32 to index
      %get3A_282 = arith.index_cast %mul3A_280 : i32 to index
      %get3A_283 = tpu.vector_load %arg14[%get3A_281, %get3A_282] {strides = array<i32>} : memref<4x2048xi32, #tpu.memory_space<vmem>>, vector<16xi32>,
      %sub3A = vector.broadcast %mul3A_2 : i32 to vector<16xi32>
      %sub3A_284 = arith.subi %get3A_283, %sub3A : vector<16xi32>
      %lt3A = vector.broadcast %select_n3A : i32 to vector<16xi32>
      %lt3A_285 = arith.cmpi ult, %sub3A_284, %lt3A : vector<16xi32>
      %gather3A = tpu.vector_load_idx %arg10[%sub3A_284] masked %lt3A_285 : memref<31312xf32, #tpu.memory_space<vmem>>[vector<16xi32>], vector<16xf32>, vector<16xi1>
      %gather3A_286 = tpu.vector_load_idx %arg11[%sub3A_284] masked %lt3A_285 : memref<31312xf32, #tpu.memory_space<vmem>>[vector<16xi32>], vector<16xf32>, vector<16xi1>
      %gather3A_287 = tpu.vector_load_idx %arg12[%sub3A_284] masked %lt3A_285 : memref<31312xf32, #tpu.memory_space<vmem>>[vector<16xi32>], vector<16xf32>, vector<16xi1>
      %get3A_288 = arith.constant 1 : i32
      %get3A_289 = arith.index_cast %get3A_288 : i32 to index
      %get3A_290 = arith.index_cast %mul3A_280 : i32 to index
      %get3A_291 = tpu.vector_load %arg14[%get3A_289, %get3A_290] {strides = array<i32>} : memref<4x2048xi32, #tpu.memory_space<vmem>>, vector<16xi32>,
      %bitcast3A = vector.bitcast %get3A_291 : vector<16xi32> to vector<16xf32>
      %sub3A_292 = arith.constant 7.600000e-02 : f32
      %sub3A_293 = vector.broadcast %sub3A_292 : f32 to vector<16xf32>
      %sub3A_294 = arith.subf %bitcast3A, %sub3A_293 : vector<16xf32>
      %get3A_295 = arith.constant 2 : i32
      %get3A_296 = arith.index_cast %get3A_295 : i32 to index
      %get3A_297 = arith.index_cast %mul3A_280 : i32 to index
      %get3A_298 = tpu.vector_load %arg14[%get3A_296, %get3A_297] {strides = array<i32>} : memref<4x2048xi32, #tpu.memory_space<vmem>>, vector<16xi32>,
      %bitcast3A_299 = vector.bitcast %get3A_298 : vector<16xi32> to vector<16xf32>
      %sub3A_300 = arith.constant 6.380000e+00 : f32
      %sub3A_301 = vector.broadcast %sub3A_300 : f32 to vector<16xf32>
      %sub3A_302 = arith.subf %bitcast3A_299, %sub3A_301 : vector<16xf32>
      %get3A_303 = arith.constant 3 : i32
      %get3A_304 = arith.index_cast %get3A_303 : i32 to index
      %get3A_305 = arith.index_cast %mul3A_280 : i32 to index
      %get3A_306 = tpu.vector_load %arg14[%get3A_304, %get3A_305] {strides = array<i32>} : memref<4x2048xi32, #tpu.memory_space<vmem>>, vector<16xi32>,
      %bitcast3A_307 = vector.bitcast %get3A_306 : vector<16xi32> to vector<16xf32>
      %sub3A_308 = arith.constant 3.000000e+00 : f32
      %sub3A_309 = vector.broadcast %sub3A_308 : f32 to vector<16xf32>
      %sub3A_310 = arith.subf %bitcast3A_307, %sub3A_309 : vector<16xf32>
      %mul3A_311 = arith.mulf %gather3A, %sub3A_294 : vector<16xf32>
      %mul3A_312 = arith.mulf %gather3A_286, %sub3A_302 : vector<16xf32>
      %add3A_313 = arith.addf %mul3A_311, %mul3A_312 : vector<16xf32>
      %mul3A_314 = arith.mulf %gather3A_287, %sub3A_310 : vector<16xf32>
      %add3A_315 = arith.addf %add3A_313, %mul3A_314 : vector<16xf32>
      %jit3A_316 = arith.constant 0.000000e+00 : f32
      %broadcast_in_dim3A_317 = vector.broadcast %jit3A_316 : f32 to vector<16xf32>
      %select_n3A_318 = arith.select %lt3A_285, %add3A_315, %broadcast_in_dim3A_317 : vector<16xi1>, vector<16xf32>
      %add3A_319 = arith.addf %scan3A_278, %select_n3A_318 : vector<16xf32>
      %mul3A_320 = arith.constant 1.000000e-03 : f32
      %mul3A_321 = vector.broadcast %mul3A_320 : f32 to vector<16xf32>
      %mul3A_322 = arith.mulf %mul3A_321, %sub3A_294 : vector<16xf32>
      %add3A_323 = arith.addf %gather3A, %mul3A_322 : vector<16xf32>
      %max3A = arith.constant 0.000000e+00 : f32
      %max3A_324 = vector.broadcast %max3A : f32 to vector<16xf32>
      %max3A_325 = arith.maximumf %add3A_323, %max3A_324 : vector<16xf32>
      tpu.vector_store_idx %arg10[%sub3A_284], %max3A_325 masked %lt3A_285 : memref<31312xf32, #tpu.memory_space<vmem>>[vector<16xi32>], vector<16xf32>, vector<16xi1>
      %mul3A_326 = arith.constant 1.000000e-03 : f32
      %mul3A_327 = vector.broadcast %mul3A_326 : f32 to vector<16xf32>
      %mul3A_328 = arith.mulf %mul3A_327, %sub3A_302 : vector<16xf32>
      %add3A_329 = arith.addf %gather3A_286, %mul3A_328 : vector<16xf32>
      %max3A_330 = arith.constant 0.000000e+00 : f32
      %max3A_331 = vector.broadcast %max3A_330 : f32 to vector<16xf32>
      %max3A_332 = arith.maximumf %add3A_329, %max3A_331 : vector<16xf32>
      tpu.vector_store_idx %arg11[%sub3A_284], %max3A_332 masked %lt3A_285 : memref<31312xf32, #tpu.memory_space<vmem>>[vector<16xi32>], vector<16xf32>, vector<16xi1>
      %mul3A_333 = arith.constant 1.000000e-03 : f32
      %mul3A_334 = vector.broadcast %mul3A_333 : f32 to vector<16xf32>
      %mul3A_335 = arith.mulf %mul3A_334, %sub3A_310 : vector<16xf32>
      %add3A_336 = arith.addf %gather3A_287, %mul3A_335 : vector<16xf32>
      %max3A_337 = arith.constant 0.000000e+00 : f32
      %max3A_338 = vector.broadcast %max3A_337 : f32 to vector<16xf32>
      %max3A_339 = arith.maximumf %add3A_336, %max3A_338 : vector<16xf32>
      tpu.vector_store_idx %arg12[%sub3A_284], %max3A_339 masked %lt3A_285 : memref<31312xf32, #tpu.memory_space<vmem>>[vector<16xi32>], vector<16xf32>, vector<16xi1>
      scf.yield %add3A_319 : vector<16xf32>
    }
    %scan3A_223 = arith.constant 128 : i32
    %mul3A_224 = arith.constant 6.10351563E-5 : f32
    %mul3A_225 = vector.broadcast %mul3A_224 : f32 to vector<16xf32>
    %mul3A_226 = arith.mulf %scan3A_222, %mul3A_225 : vector<16xf32>
    %swap3A = arith.constant 0 : index
    %swap3A_227 = tpu.vector_load %arg16[%swap3A] {strides = array<i32>} : memref<16xf32, #tpu.memory_space<vmem>>, vector<16xf32>,
    tpu.vector_store %arg16[%swap3A], %mul3A_226 {strides = array<i32>} : memref<16xf32, #tpu.memory_space<vmem>>, vector<16xf32>,
    %dma_start3A_228 = arith.constant 0 : i32
    %dma_start3A_229 = tpu.memref_slice %arg10[%dma_start3A_228] : memref<31312xf32, #tpu.memory_space<vmem>> -> memref<31248xf32, #tpu.memory_space<vmem>>
    %dma_start3A_230 = tpu.memref_slice %arg6[%mul3A_2] : memref<1000000xf32, #tpu.memory_space<hbm>> -> memref<31248xf32, #tpu.memory_space<hbm>>
    %dma_start3A_231 = tpu.memref_slice %arg6[%mul3A_2] : memref<1000000xf32, #tpu.memory_space<hbm>> -> memref<31248xf32, #tpu.memory_space<hbm>>
    %dma_start3A_232 = arith.constant 0 : i32
    %dma_start3A_233 = tpu.memref_slice %arg10[%dma_start3A_232] : memref<31312xf32, #tpu.memory_space<vmem>> -> memref<31248xf32, #tpu.memory_space<vmem>>
    tpu.enqueue_dma source(%dma_start3A_233 : memref<31248xf32, #tpu.memory_space<vmem>>) target(%dma_start3A_231 : memref<31248xf32, #tpu.memory_space<hbm>>) target_semaphore(%arg17 : memref<!tpu.dma_semaphore, #tpu.memory_space<semaphore_mem>>)
    %dma_start3A_234 = arith.constant 0 : i32
    %dma_start3A_235 = tpu.memref_slice %arg11[%dma_start3A_234] : memref<31312xf32, #tpu.memory_space<vmem>> -> memref<31248xf32, #tpu.memory_space<vmem>>
    %dma_start3A_236 = tpu.memref_slice %arg7[%mul3A_2] : memref<1000000xf32, #tpu.memory_space<hbm>> -> memref<31248xf32, #tpu.memory_space<hbm>>
    %dma_start3A_237 = tpu.memref_slice %arg7[%mul3A_2] : memref<1000000xf32, #tpu.memory_space<hbm>> -> memref<31248xf32, #tpu.memory_space<hbm>>
    %dma_start3A_238 = arith.constant 0 : i32
    %dma_start3A_239 = tpu.memref_slice %arg11[%dma_start3A_238] : memref<31312xf32, #tpu.memory_space<vmem>> -> memref<31248xf32, #tpu.memory_space<vmem>>
    tpu.enqueue_dma source(%dma_start3A_239 : memref<31248xf32, #tpu.memory_space<vmem>>) target(%dma_start3A_237 : memref<31248xf32, #tpu.memory_space<hbm>>) target_semaphore(%arg17 : memref<!tpu.dma_semaphore, #tpu.memory_space<semaphore_mem>>)
    %dma_start3A_240 = arith.constant 0 : i32
    %dma_start3A_241 = tpu.memref_slice %arg12[%dma_start3A_240] : memref<31312xf32, #tpu.memory_space<vmem>> -> memref<31248xf32, #tpu.memory_space<vmem>>
    %dma_start3A_242 = tpu.memref_slice %arg8[%mul3A_2] : memref<1000000xf32, #tpu.memory_space<hbm>> -> memref<31248xf32, #tpu.memory_space<hbm>>
    %dma_start3A_243 = tpu.memref_slice %arg8[%mul3A_2] : memref<1000000xf32, #tpu.memory_space<hbm>> -> memref<31248xf32, #tpu.memory_space<hbm>>
    %dma_start3A_244 = arith.constant 0 : i32
    %dma_start3A_245 = tpu.memref_slice %arg12[%dma_start3A_244] : memref<31312xf32, #tpu.memory_space<vmem>> -> memref<31248xf32, #tpu.memory_space<vmem>>
    tpu.enqueue_dma source(%dma_start3A_245 : memref<31248xf32, #tpu.memory_space<vmem>>) target(%dma_start3A_243 : memref<31248xf32, #tpu.memory_space<hbm>>) target_semaphore(%arg17 : memref<!tpu.dma_semaphore, #tpu.memory_space<semaphore_mem>>)
    %dma_start3A_246 = arith.constant 0 : i32
    %dma_start3A_247 = tpu.memref_slice %arg9[%add3A, %dma_start3A_246] : memref<32x16xf32, #tpu.memory_space<hbm>> -> memref<1x16xf32, #tpu.memory_space<hbm>>
    %dma_start3A_248 = tpu.memref_squeeze %dma_start3A_247 : memref<1x16xf32, #tpu.memory_space<hbm>> -> memref<16xf32, #tpu.memory_space<hbm>>
    %dma_start3A_249 = arith.constant 0 : i32
    %dma_start3A_250 = tpu.memref_slice %arg9[%add3A, %dma_start3A_249] : memref<32x16xf32, #tpu.memory_space<hbm>> -> memref<1x16xf32, #tpu.memory_space<hbm>>
    %dma_start3A_251 = tpu.memref_squeeze %dma_start3A_250 : memref<1x16xf32, #tpu.memory_space<hbm>> -> memref<16xf32, #tpu.memory_space<hbm>>
    tpu.enqueue_dma source(%arg16 : memref<16xf32, #tpu.memory_space<vmem>>) target(%dma_start3A_251 : memref<16xf32, #tpu.memory_space<hbm>>) target_semaphore(%arg18 : memref<!tpu.dma_semaphore, #tpu.memory_space<semaphore_mem>>)
    %convert_element_type3A = arith.extui %eq3A_3 : i1 to i32
    %cond3A = arith.constant 0 : i32
    %cond3A_252 = arith.cmpi ne, %convert_element_type3A, %cond3A : i32
    scf.if %cond3A_252 {
      %dma_start3A_277 = arith.constant 31248 : i32
      %dma_start3A_278 = tpu.memref_slice %arg10[%dma_start3A_277] : memref<31312xf32, #tpu.memory_space<vmem>> -> memref<64xf32, #tpu.memory_space<vmem>>
      %dma_start3A_279 = arith.constant 999936 : i32
      %dma_start3A_280 = tpu.memref_slice %arg6[%dma_start3A_279] : memref<1000000xf32, #tpu.memory_space<hbm>> -> memref<64xf32, #tpu.memory_space<hbm>>
      %dma_start3A_281 = arith.constant 999936 : i32
      %dma_start3A_282 = tpu.memref_slice %arg6[%dma_start3A_281] : memref<1000000xf32, #tpu.memory_space<hbm>> -> memref<64xf32, #tpu.memory_space<hbm>>
      %dma_start3A_283 = arith.constant 31248 : i32
      %dma_start3A_284 = tpu.memref_slice %arg10[%dma_start3A_283] : memref<31312xf32, #tpu.memory_space<vmem>> -> memref<64xf32, #tpu.memory_space<vmem>>
      tpu.enqueue_dma source(%dma_start3A_284 : memref<64xf32, #tpu.memory_space<vmem>>) target(%dma_start3A_282 : memref<64xf32, #tpu.memory_space<hbm>>) target_semaphore(%arg18 : memref<!tpu.dma_semaphore, #tpu.memory_space<semaphore_mem>>)
      %dma_start3A_285 = arith.constant 31248 : i32
      %dma_start3A_286 = tpu.memref_slice %arg11[%dma_start3A_285] : memref<31312xf32, #tpu.memory_space<vmem>> -> memref<64xf32, #tpu.memory_space<vmem>>
      %dma_start3A_287 = arith.constant 999936 : i32
      %dma_start3A_288 = tpu.memref_slice %arg7[%dma_start3A_287] : memref<1000000xf32, #tpu.memory_space<hbm>> -> memref<64xf32, #tpu.memory_space<hbm>>
      %dma_start3A_289 = arith.constant 999936 : i32
      %dma_start3A_290 = tpu.memref_slice %arg7[%dma_start3A_289] : memref<1000000xf32, #tpu.memory_space<hbm>> -> memref<64xf32, #tpu.memory_space<hbm>>
      %dma_start3A_291 = arith.constant 31248 : i32
      %dma_start3A_292 = tpu.memref_slice %arg11[%dma_start3A_291] : memref<31312xf32, #tpu.memory_space<vmem>> -> memref<64xf32, #tpu.memory_space<vmem>>
      tpu.enqueue_dma source(%dma_start3A_292 : memref<64xf32, #tpu.memory_space<vmem>>) target(%dma_start3A_290 : memref<64xf32, #tpu.memory_space<hbm>>) target_semaphore(%arg18 : memref<!tpu.dma_semaphore, #tpu.memory_space<semaphore_mem>>)
      %dma_start3A_293 = arith.constant 31248 : i32
      %dma_start3A_294 = tpu.memref_slice %arg12[%dma_start3A_293] : memref<31312xf32, #tpu.memory_space<vmem>> -> memref<64xf32, #tpu.memory_space<vmem>>
      %dma_start3A_295 = arith.constant 999936 : i32
      %dma_start3A_296 = tpu.memref_slice %arg8[%dma_start3A_295] : memref<1000000xf32, #tpu.memory_space<hbm>> -> memref<64xf32, #tpu.memory_space<hbm>>
      %dma_start3A_297 = arith.constant 999936 : i32
      %dma_start3A_298 = tpu.memref_slice %arg8[%dma_start3A_297] : memref<1000000xf32, #tpu.memory_space<hbm>> -> memref<64xf32, #tpu.memory_space<hbm>>
      %dma_start3A_299 = arith.constant 31248 : i32
      %dma_start3A_300 = tpu.memref_slice %arg12[%dma_start3A_299] : memref<31312xf32, #tpu.memory_space<vmem>> -> memref<64xf32, #tpu.memory_space<vmem>>
      tpu.enqueue_dma source(%dma_start3A_300 : memref<64xf32, #tpu.memory_space<vmem>>) target(%dma_start3A_298 : memref<64xf32, #tpu.memory_space<hbm>>) target_semaphore(%arg18 : memref<!tpu.dma_semaphore, #tpu.memory_space<semaphore_mem>>)
      %dma_wait3A_301 = arith.constant 31248 : i32
      %dma_wait3A_302 = tpu.memref_slice %arg10[%dma_wait3A_301] : memref<31312xf32, #tpu.memory_space<vmem>> -> memref<64xf32, #tpu.memory_space<vmem>>
      %dma_wait3A_303 = arith.constant 999936 : i32
      %dma_wait3A_304 = tpu.memref_slice %arg6[%dma_wait3A_303] : memref<1000000xf32, #tpu.memory_space<hbm>> -> memref<64xf32, #tpu.memory_space<hbm>>
      %dma_wait3A_305 = arith.constant 999936 : i32
      %dma_wait3A_306 = tpu.memref_slice %arg6[%dma_wait3A_305] : memref<1000000xf32, #tpu.memory_space<hbm>> -> memref<64xf32, #tpu.memory_space<hbm>>
      %dma_wait3A_307 = arith.constant 31248 : i32
      %dma_wait3A_308 = tpu.memref_slice %arg10[%dma_wait3A_307] : memref<31312xf32, #tpu.memory_space<vmem>> -> memref<64xf32, #tpu.memory_space<vmem>>
      tpu.wait_dma2 semaphore(%arg18 : memref<!tpu.dma_semaphore, #tpu.memory_space<semaphore_mem>>) src(%dma_wait3A_308 : memref<64xf32, #tpu.memory_space<vmem>>) dst(%dma_wait3A_306 : memref<64xf32, #tpu.memory_space<hbm>>)
      %dma_wait3A_309 = arith.constant 31248 : i32
      %dma_wait3A_310 = tpu.memref_slice %arg11[%dma_wait3A_309] : memref<31312xf32, #tpu.memory_space<vmem>> -> memref<64xf32, #tpu.memory_space<vmem>>
      %dma_wait3A_311 = arith.constant 999936 : i32
      %dma_wait3A_312 = tpu.memref_slice %arg7[%dma_wait3A_311] : memref<1000000xf32, #tpu.memory_space<hbm>> -> memref<64xf32, #tpu.memory_space<hbm>>
      %dma_wait3A_313 = arith.constant 999936 : i32
      %dma_wait3A_314 = tpu.memref_slice %arg7[%dma_wait3A_313] : memref<1000000xf32, #tpu.memory_space<hbm>> -> memref<64xf32, #tpu.memory_space<hbm>>
      %dma_wait3A_315 = arith.constant 31248 : i32
      %dma_wait3A_316 = tpu.memref_slice %arg11[%dma_wait3A_315] : memref<31312xf32, #tpu.memory_space<vmem>> -> memref<64xf32, #tpu.memory_space<vmem>>
      tpu.wait_dma2 semaphore(%arg18 : memref<!tpu.dma_semaphore, #tpu.memory_space<semaphore_mem>>) src(%dma_wait3A_316 : memref<64xf32, #tpu.memory_space<vmem>>) dst(%dma_wait3A_314 : memref<64xf32, #tpu.memory_space<hbm>>)
      %dma_wait3A_317 = arith.constant 31248 : i32
      %dma_wait3A_318 = tpu.memref_slice %arg12[%dma_wait3A_317] : memref<31312xf32, #tpu.memory_space<vmem>> -> memref<64xf32, #tpu.memory_space<vmem>>
      %dma_wait3A_319 = arith.constant 999936 : i32
      %dma_wait3A_320 = tpu.memref_slice %arg8[%dma_wait3A_319] : memref<1000000xf32, #tpu.memory_space<hbm>> -> memref<64xf32, #tpu.memory_space<hbm>>
      %dma_wait3A_321 = arith.constant 999936 : i32
      %dma_wait3A_322 = tpu.memref_slice %arg8[%dma_wait3A_321] : memref<1000000xf32, #tpu.memory_space<hbm>> -> memref<64xf32, #tpu.memory_space<hbm>>
      %dma_wait3A_323 = arith.constant 31248 : i32
      %dma_wait3A_324 = tpu.memref_slice %arg12[%dma_wait3A_323] : memref<31312xf32, #tpu.memory_space<vmem>> -> memref<64xf32, #tpu.memory_space<vmem>>
      tpu.wait_dma2 semaphore(%arg18 : memref<!tpu.dma_semaphore, #tpu.memory_space<semaphore_mem>>) src(%dma_wait3A_324 : memref<64xf32, #tpu.memory_space<vmem>>) dst(%dma_wait3A_322 : memref<64xf32, #tpu.memory_space<hbm>>)
    } else {
    }
    %dma_wait3A_253 = arith.constant 0 : i32
    %dma_wait3A_254 = tpu.memref_slice %arg10[%dma_wait3A_253] : memref<31312xf32, #tpu.memory_space<vmem>> -> memref<31248xf32, #tpu.memory_space<vmem>>
    %dma_wait3A_255 = tpu.memref_slice %arg6[%mul3A_2] : memref<1000000xf32, #tpu.memory_space<hbm>> -> memref<31248xf32, #tpu.memory_space<hbm>>
    %dma_wait3A_256 = tpu.memref_slice %arg6[%mul3A_2] : memref<1000000xf32, #tpu.memory_space<hbm>> -> memref<31248xf32, #tpu.memory_space<hbm>>
    %dma_wait3A_257 = arith.constant 0 : i32
    %dma_wait3A_258 = tpu.memref_slice %arg10[%dma_wait3A_257] : memref<31312xf32, #tpu.memory_space<vmem>> -> memref<31248xf32, #tpu.memory_space<vmem>>
    tpu.wait_dma2 semaphore(%arg17 : memref<!tpu.dma_semaphore, #tpu.memory_space<semaphore_mem>>) src(%dma_wait3A_258 : memref<31248xf32, #tpu.memory_space<vmem>>) dst(%dma_wait3A_256 : memref<31248xf32, #tpu.memory_space<hbm>>)
    %dma_wait3A_259 = arith.constant 0 : i32
    %dma_wait3A_260 = tpu.memref_slice %arg11[%dma_wait3A_259] : memref<31312xf32, #tpu.memory_space<vmem>> -> memref<31248xf32, #tpu.memory_space<vmem>>
    %dma_wait3A_261 = tpu.memref_slice %arg7[%mul3A_2] : memref<1000000xf32, #tpu.memory_space<hbm>> -> memref<31248xf32, #tpu.memory_space<hbm>>
    %dma_wait3A_262 = tpu.memref_slice %arg7[%mul3A_2] : memref<1000000xf32, #tpu.memory_space<hbm>> -> memref<31248xf32, #tpu.memory_space<hbm>>
    %dma_wait3A_263 = arith.constant 0 : i32
    %dma_wait3A_264 = tpu.memref_slice %arg11[%dma_wait3A_263] : memref<31312xf32, #tpu.memory_space<vmem>> -> memref<31248xf32, #tpu.memory_space<vmem>>
    tpu.wait_dma2 semaphore(%arg17 : memref<!tpu.dma_semaphore, #tpu.memory_space<semaphore_mem>>) src(%dma_wait3A_264 : memref<31248xf32, #tpu.memory_space<vmem>>) dst(%dma_wait3A_262 : memref<31248xf32, #tpu.memory_space<hbm>>)
    %dma_wait3A_265 = arith.constant 0 : i32
    %dma_wait3A_266 = tpu.memref_slice %arg12[%dma_wait3A_265] : memref<31312xf32, #tpu.memory_space<vmem>> -> memref<31248xf32, #tpu.memory_space<vmem>>
    %dma_wait3A_267 = tpu.memref_slice %arg8[%mul3A_2] : memref<1000000xf32, #tpu.memory_space<hbm>> -> memref<31248xf32, #tpu.memory_space<hbm>>
    %dma_wait3A_268 = tpu.memref_slice %arg8[%mul3A_2] : memref<1000000xf32, #tpu.memory_space<hbm>> -> memref<31248xf32, #tpu.memory_space<hbm>>
    %dma_wait3A_269 = arith.constant 0 : i32
    %dma_wait3A_270 = tpu.memref_slice %arg12[%dma_wait3A_269] : memref<31312xf32, #tpu.memory_space<vmem>> -> memref<31248xf32, #tpu.memory_space<vmem>>
    tpu.wait_dma2 semaphore(%arg17 : memref<!tpu.dma_semaphore, #tpu.memory_space<semaphore_mem>>) src(%dma_wait3A_270 : memref<31248xf32, #tpu.memory_space<vmem>>) dst(%dma_wait3A_268 : memref<31248xf32, #tpu.memory_space<hbm>>)
    %dma_wait3A_271 = arith.constant 0 : i32
    %dma_wait3A_272 = tpu.memref_slice %arg9[%add3A, %dma_wait3A_271] : memref<32x16xf32, #tpu.memory_space<hbm>> -> memref<1x16xf32, #tpu.memory_space<hbm>>
    %dma_wait3A_273 = tpu.memref_squeeze %dma_wait3A_272 : memref<1x16xf32, #tpu.memory_space<hbm>> -> memref<16xf32, #tpu.memory_space<hbm>>
    %dma_wait3A_274 = arith.constant 0 : i32
    %dma_wait3A_275 = tpu.memref_slice %arg9[%add3A, %dma_wait3A_274] : memref<32x16xf32, #tpu.memory_space<hbm>> -> memref<1x16xf32, #tpu.memory_space<hbm>>
    %dma_wait3A_276 = tpu.memref_squeeze %dma_wait3A_275 : memref<1x16xf32, #tpu.memory_space<hbm>> -> memref<16xf32, #tpu.memory_space<hbm>>
    tpu.wait_dma2 semaphore(%arg18 : memref<!tpu.dma_semaphore, #tpu.memory_space<semaphore_mem>>) src(%arg16 : memref<16xf32, #tpu.memory_space<vmem>>) dst(%dma_wait3A_276 : memref<16xf32, #tpu.memory_space<hbm>>)
    return
  }
}

</mosaic_0001>

<sc_bundles>
// kernel: kernel.3.cloned.1.call-start
scs
__scs_entry_jumppad:
0x0: {  	(pc) =	sbr.rel $0x88, $3  }
0x1: {  	(tag) =	ssettag $0x0;
	lr =	simm.s32 $0x1  }
0x2: {  	[smem:$0x3F99] =	sst lr;
	_ =	strace $0xD0000000  }
0x3: {  	_ = 	snop  }
0x4: {  	_ = 	snop  }
0x5: {  	_ = 	snop  }
0x6: {  	_ = 	snop  }
0x7: {  	_ = 	snop  }
__scs_overlays_trampoline_lowered:
0x8: {  	[smem:$0x3FA8] =	sst s0  }
0x9: {  	[smem:$0x3FA9] =	sst s1  }
0xa: {  	[smem:$0x3FAA] =	sst s2  }
0xb: {  	[smem:$0x3FAB] =	sst s3  }
0xc: {  	[smem:$0x3FAC] =	sst s4  }
0xd: {  	[smem:$0x3FAD] =	sst s5  }
0xe: {  	[smem:$0x3FAE] =	sst s6  }
0xf: {  	[smem:$0x3FAF] =	sst s7  }
0x10: {  	[smem:$0x3FB0] =	sst s8  }
0x11: {  	[smem:$0x3FB1] =	sst s9;
	s0 =	simm.s32 @!p0 $0x0  }
0x12: {  	s1 =	sld [smem:$0x3F97];
	s0 =	simm.s32 @p0 $0x1  }
0x13: {  	[smem:$0x3FB2] =	sst s0;
	s0 =	simm.s32 @!p1 $0x0  }
0x14: {  	s2 =	sld [smem:$0x3F96];
	s0 =	simm.s32 @p1 $0x1  }
0x15: {  	[smem:$0x3FB3] =	sst s0;
	s0 =	simm.s32 @!p2 $0x0  }
0x16: {  	s3 =	sld [smem:$0x3FDB];
	s0 =	simm.s32 @p2 $0x1  }
0x17: {  	s4 =	simm.s32 $0x1BF5;
	[smem:$0x3FB5] =	sst s0  }
0x18: {  	s0 =	sld [smem:$0x3F98];
	_ =	swait.ge [sflag:s4], $0x0  }
0x19: {  	s7 =	sld [smem:$0x3F99]  }
0x1a: {  	s8 =	sadd.s32 $0xFFFFE003, lr  }
0x1b: {  	s9 =	sadd.s32 $0xFFFFFEF7, lr;
	s5 =	simm.s32 $0xFFFFFFFF;
	p2 =	slt.u32 s8, $0xFFFFF086  }
0x1c: {  	p1 =	slt.u32 s9, $0xF7A;
	s5 =	simm.s32 @!p2 $0x0  }
0x1d: {  	s5 =	simm.s32 @p1 $0x1;
	p0 =	seq.s32 s7, s2  }
0x1e: {  	s7 =	smul.u32 @!p0 $0xF7A, s2;
	p2 =	seq.s32 @!p0 s5, $0x0  }
0x1f: {  	s9 =	smul.u32 $0xF7A, s1;
	s8 =	simm.s32 @!p0 $0x1BF5;
	p2 =	por !p2, p0  }
0x20: {  	[sflag:s8] =	ssyncset.s32 @!p0 $0xFFFFF086;
	s6 =	sadd.s32 @!p0 s3, s7;
	s7 =	simm.s32 @!p0 $0x108  }
0x21: {  	s3 =	sadd.s32 s3, s9;
	s6 =	sadd.s32 @!p0 $0x88, s6;
	s7 =	simm.s32 @p2 $0x1082  }
0x22: {  	[simem:s7], [sflag:s8] =	dma.local @!p0 [hbm:s6], $0xF7A  }
0x23: {  	s9 =	sor.u32 $0xD0000000, s2;
	s6 =	simm.s32 $0x108;
	_ =	swait.ge @!p0 [sflag:s8], $0x0  }
0x24: {  	s3 =	sadd.s32 $0x88, s3;
	s6 =	simm.s32 @!p1 $0x1082;
	[sflag:s4] =	ssyncset.s32 $0xFFFFF086  }
0x25: {  	[simem:s6], [sflag:s4] =	dma.local [hbm:s3], $0xF7A  }
0x26: {  	[smem:$0x3F99] =	sst s1;
	(tag) =	ssettag s2;
	_ =	strace s9  }
0x27: {  	s1 =	sld [smem:$0x3FA9]  }
0x28: {  	s2 =	sld [smem:$0x3FAA]  }
0x29: {  	s4 =	sld [smem:$0x3FAC]  }
0x2a: {  	p0 =	seq.s32 s5, $0x0;
	s5 =	sld [smem:$0x3FAD]  }
0x2b: {  	s6 =	sld [smem:$0x3FAE]  }
0x2c: {  	s7 =	sld [smem:$0x3FAF]  }
0x2d: {  	s3 =	simm.s32 $0x108;
	s8 =	sld [smem:$0x3FB0]  }
0x2e: {  	s3 =	simm.s32 @!p0 $0x1082;
	s9 =	sld [smem:$0x3FB1]  }
0x2f: {  	lr =	sadd.s32 s0, s3;
	s0 =	sld [smem:$0x3FA8]  }
0x30: {  	s3 =	sld [smem:$0x3FAB]  }
0x31: {  	[smem:$0x3FB4] =	sst s10  }
0x32: {  	s10 =	sld [smem:$0x3FB2];
	_ =	sdelay $0x3  }
0x33: {  	p0 =	seq.s32 s10, $0x1;
	s10 =	sld [smem:$0x3FB4];
	_ =	sdelay $0x3  }
0x34: {  	[smem:$0x3FB4] =	sst s10  }
0x35: {  	s10 =	sld [smem:$0x3FB3];
	_ =	sdelay $0x3  }
0x36: {  	p1 =	seq.s32 s10, $0x1;
	s10 =	sld [smem:$0x3FB4];
	_ =	sdelay $0x3  }
0x37: {  	[smem:$0x3FB4] =	sst s10  }
0x38: {  	s10 =	sld [smem:$0x3FB5]  }
0x39: {  	_ = 	snop;
	(pc) =	sbr.ind lr, $3  }
0x3a: {  	_ = 	snop  }
0x3b: {  	_ = 	snop  }
0x3c: {  	p2 =	seq.s32 s10, $0x1;
	s10 =	sld [smem:$0x3FB4]  }
0x3d: {  	_ =	shalt  }
0x3e: {  	_ =	shalt  }
0x3f: {  	_ =	shalt  }
0x40: {  	_ =	shalt  }
0x41: {  	_ =	shalt  }
0x42: {  	_ =	shalt  }
0x43: {  	_ =	shalt  }
0x44: {  	_ =	shalt  }
0x45: {  	_ =	shalt  }
0x46: {  	_ =	shalt  }
0x47: {  	_ =	shalt  }
0x48: {  	_ =	shalt  }
0x49: {  	_ =	shalt  }
0x4a: {  	_ =	shalt  }
0x4b: {  	_ =	shalt  }
0x4c: {  	_ =	shalt  }
0x4d: {  	_ =	shalt  }
0x4e: {  	_ =	shalt  }
0x4f: {  	_ =	shalt  }
0x50: {  	_ =	shalt  }
0x51: {  	_ =	shalt  }
0x52: {  	_ =	shalt  }
0x53: {  	_ =	shalt  }
0x54: {  	_ =	shalt  }
0x55: {  	_ =	shalt  }
0x56: {  	_ =	shalt  }
0x57: {  	_ =	shalt  }
0x58: {  	_ =	shalt  }
0x59: {  	_ =	shalt  }
0x5a: {  	_ =	shalt  }
0x5b: {  	_ =	shalt  }
0x5c: {  	_ =	shalt  }
0x5d: {  	_ =	shalt  }
0x5e: {  	_ =	shalt  }
0x5f: {  	_ =	shalt  }
0x60: {  	_ =	shalt  }
0x61: {  	_ =	shalt  }
0x62: {  	_ =	shalt  }
0x63: {  	_ =	shalt  }
0x64: {  	_ =	shalt  }
0x65: {  	_ =	shalt  }
0x66: {  	_ =	shalt  }
0x67: {  	_ =	shalt  }
0x68: {  	_ =	shalt  }
0x69: {  	_ =	shalt  }
0x6a: {  	_ =	shalt  }
0x6b: {  	_ =	shalt  }
0x6c: {  	_ =	shalt  }
0x6d: {  	_ =	shalt  }
0x6e: {  	_ =	shalt  }
0x6f: {  	_ =	shalt  }
0x70: {  	_ =	shalt  }
0x71: {  	_ =	shalt  }
0x72: {  	_ =	shalt  }
0x73: {  	_ =	shalt  }
0x74: {  	_ =	shalt  }
0x75: {  	_ =	shalt  }
0x76: {  	_ =	shalt  }
0x77: {  	_ =	shalt  }
0x78: {  	_ =	shalt  }
0x79: {  	_ =	shalt  }
0x7a: {  	_ =	shalt  }
0x7b: {  	_ =	shalt  }
0x7c: {  	_ =	shalt  }
0x7d: {  	_ =	shalt  }
0x7e: {  	_ =	shalt  }
0x7f: {  	_ =	shalt  }
0x80: {  	_ =	shalt  }
0x81: {  	_ =	shalt  }
0x82: {  	_ =	shalt  }
0x83: {  	_ =	shalt  }
0x84: {  	_ =	shalt  }
0x85: {  	_ =	shalt  }
0x86: {  	_ =	shalt  }
0x87: {  	_ =	shalt  }
.Lfunc_end0:
.L_simem_size_0:
called_computation_lowered:
.L_overlay_start_0:
0x88: {  	s2 =	sld [smem:$0x3FD9]  }
0x89: {  	s3 =	sld [smem:$0x3FFE];
	_ =	sdelay $0x1  }
0x8a: {  	s1 =	srdreg.scid  }
0x8b: {  	s0 =	sand.u32 $0x1, s1  }
0x8c: {  	s14 =	sshll.u32 s0, $0xA;
	s2 =	sadd.s32 s3, s2  }
0x8d: {  	s2 =	sadd.s32 s2, s14  }
0x8e: {  	[smem:$0x3FC0] =	sst s2  }
0x8f: {  	_ = 	snop  }
0x90: {  	s2 =	sld [smem:$0x3FD0]  }
0x91: {  	s15 =	sld [smem:$0x3FC4]  }
0x92: {  	s4 =	sld [smem:$0x3FC3]  }
0x93: {  	s6 =	simm.s32 $0xA;
	s7 =	simm.s32 $0x10;
	s5 =	sld [smem:$0x3FC2]  }
0x94: {  	[smem:s7], [sflag:s6] =	dma.local [hbm:s2], $0x1  }
0x95: {  	_ =	swait.eq [sflag:s6], $0x1  }
0x96: {  	s16 =	sld [smem:$0x11];
	[sflag:s6] =	ssyncset.done $0x0  }
0x97: {  	s17 =	sld [smem:$0x12];
	[sflag:s6] =	ssyncadd.s32 $0xFFFFFFFF  }
0x98: {  	s18 =	sld [smem:$0x13];
	(tm) =	ssettm $0x1  }
0x99: {  	s8 =	sld [smem:$0x3FFB];
	_ =	sdelay $0x3  }
0x9a: {  	_ =	strace s8  }
0x9b: {  	s8 =	sld [smem:$0x3FFC];
	_ =	sdelay $0x3  }
0x9c: {  	_ =	strace s8  }
0x9d: {  	s8 =	sld [smem:$0x3FFD];
	_ =	sdelay $0x3  }
0x9e: {  	_ =	strace s8  }
0x9f: {  	_ =	strace $0x8FFFFFFF  }
0xa0: {  	s19 =	sld [smem:$0x3FDB];
	_ =	sdelay $0x1  }
0xa1: {  	s9 =	simm.s32 $_scs_section_size  }
0xa2: {  	s10 =	simm.s32 $_size__tile_overlayer_lowered;
	s11 =	simm.s32 $_tile_overlayer_lowered  }
0xa3: {  	s22 =	simm.s32 $0x1BFF;
	s21 =	sshll.u32 s11, $0x1;
	s8 =	sadd.s32 s9, s19  }
0xa4: {  	s12 =	simm.s32 $0x0;
	s20 =	sshll.u32 s10, $0x1;
	s10 =	sadd.s32 s21, s8  }
0xa5: {  	[timem:s12], [sflag:s22] =	dma.local [hbm:s10], s20  }
0xa6: {  	_ =	swait.ge [sflag:s22], s20  }
0xa7: {  	s9 =	ssub.s32 $0x0, s20;
	[sflag:s22] =	ssyncset.done $0x0  }
0xa8: {  	[sflag:s22] =	ssyncadd.s32 s9;
	_ =	sdelay $0x1  }
0xa9: {  	s23 =	simm.s32 $0x1B8B  }
0xaa: {  	_ =	swait.ge [sflag:s23], $0x1  }
0xab: {  	[sflag:s23] =	ssyncset.done $0x0  }
0xac: {  	s25 =	simm.s32 $0x1B8E;
	s24 =	sld [smem:$0x3FFE];
	[sflag:s23] =	ssyncadd.s32 $0xFFFFFFFF  }
0xad: {  	s26 =	simm.s32 $execute0_lowered;
	[smem:$0x3FD2] =	sst s25  }
0xae: {  	s10 =	sshll.u32 s26, $0x1;
	_ =	strace $0x80000046;
	[dreg:$0x1] =	wrdreg $0xFFFFFFFF  }
0xaf: {  	s28 =	simm.s32 $_size_execute0_lowered;
	s8 =	sadd.s32 s8, s10;
	[dreg:$0x0] =	wrdreg $0x0  }
0xb0: {  	s10 =	sshll.u32 s28, $0x1;
	[dreg:$0x2] =	wrdreg s8  }
0xb1: {  	[dreg:$0x3] =	wrdreg s10  }
0xb2: {  	[dreg:$0x4] =	wrdreg $0xC0  }
0xb3: {  	_ =	task [dreg:s12], $0x5FFFF  }
0xb4: {  	[dreg:$0x1] =	wrdreg $0xFFFFFFFF  }
0xb5: {  	[dreg:$0x0] =	wrdreg $0x60  }
0xb6: {  	[dreg:$0x2] =	wrdreg s24  }
0xb7: {  	[dreg:$0x3] =	wrdreg s15  }
0xb8: {  	[dreg:$0x4] =	wrdreg s4  }
0xb9: {  	[dreg:$0x5] =	wrdreg s5  }
0xba: {  	[dreg:$0x6] =	wrdreg s16  }
0xbb: {  	[dreg:$0x7] =	wrdreg s17  }
0xbc: {  	[dreg:$0x8] =	wrdreg s18  }
0xbd: {  	[dreg:$0x9] =	wrdreg $0x9  }
0xbe: {  	_ =	task.clear_ibuf [dreg:s12], $0xAFFFF;
	_ =	strace $0x90000046  }
0xbf: {  	s29 =	simm.s32 $0x9;
	_ =	strace $0x80000048  }
0xc0: {  	_ =	swait.ge [sflag:s29], $0x1  }
0xc1: {  	[sflag:s29] =	ssyncadd.s32 $0xFFFFFFFF  }
0xc2: {  	_ =	strace $0x90000048  }
0xc3: {  	_ =	sfence  }
0xc4: {  	s30 =	sld [smem:$0x0];
	_ =	sdelay $0x2  }
0xc5: {  	s31 =	sshll.u32 s1, $0xD;
	s1 =	sshrl.u32 s1, $0x2  }
0xc6: {  	s3 =	sand.u32 $0x4000, s31;
	s1 =	sadd.s32 s1, s30  }
0xc7: {  	s0 =	sor.u32 s3, s0;
	s1 =	sshll.u32 s1, $0x11  }
0xc8: {  	s0 =	sor.u32 s1, s0  }
0xc9: {  	s0 =	sadd.s32 $0x8F2B, s0  }
0xca: {  	[sflag:s0] =	ssyncadd.remote.s32 $0x1  }
0xcb: {  	_ =	sfence.sel $0xFFFF  }
0xcc: {  	[dreg:$0x0] =	wrdreg $0xFFFFFFFF;
	(pc) =	sbr.abs _section_cstart, $3  }
0xcd: {  	[dreg:$0x1] =	wrdreg $0xFFFFFFFF  }
0xce: {  	_ =	task.clear_ibuf [dreg:s12], $0x2FFFF;
	_ =	strace $0x9FFFFFFF  }
0xcf: {  	(tm) =	ssettm $0x7FFFFFFF  }
tec
execute0_lowered:
.L_overlay_start_1:
0x0: {  	(tag) =	ssettag $0x1  }
0x1: {  	s0 =	rddreg [dreg:$0x0]  }
0x2: {  	s1 =	rddreg [dreg:$0x1]  }
0x3: {  	s4 =	rddreg [dreg:$0x2]  }
0x4: {  	s5 =	rddreg [dreg:$0x3]  }
0x5: {  	s18 =	rddreg [dreg:$0x4]  }
0x6: {  	s19 =	rddreg [dreg:$0x5]  }
0x7: {  	s20 =	rddreg [dreg:$0x6]  }
0x8: {  	s2 =	simm.s32 $0x0;
	s3 =	srdreg.scid;
	s6 =	stileid.u32  }
0x9: {  	s30 =	simm.s32 $0x7A50;
	s22 =	simm.s32 $0x7A80;
	s28 =	simm.s32 $0x2  }
0xa: {  	s31 =	simm.s32 $0x0;
	s3 =	sand.u32 $0x1, s3;
	s6 =	sshll.u32 s6, $0x1  }
0xb: {  	[smem:$0x7FF] =	sst s2;
	s13 =	sadd.s32 $0x400, s0;
	s23 =	sor.u32 s3, s6  }
0xc: {  	_ =	strace $0x80000047;
	s3 =	ssub.s32 $0x2, s3;
	s6 =	sshll.u32 s23, $0x4  }
0xd: {  	s7 =	sshrl.u32 s3, $0x1;
	s29 =	smul.u32 $0x7A10, s23;
	p0 =	seq.s32 s23, $0x1F  }
0xe: {  	s24 =	sshll.u32 s23, $0xA;
	s0 =	sadd.s32 s6, s0;
	s21 =	ssub.s32 s3, s7  }
0xf: {  	s30 =	simm.s32 @!p0 $0x7A10;
	s8 =	sand.u32 $0x1C00, s24;
	s25 =	sadd.s32 $0x400, s24  }
0x10: {  	s9 =	sadd.s32 $0x800, s24;
	s10 =	sadd.s32 $0xC00, s24;
	s26 =	sadd.s32 $0x1400, s24  }
0x11: {  	s12 =	sadd.s32 $0x1800, s24;
	p0 =	sne.s32 s23, $0x1F;
	s23 =	simm.s32 $0xF500  }
0x12: {  	s16 =	sshrl.u32 s29, $0x3;
	s6 =	sadd.s32 s13, s8;
	s7 =	sand.u32 $0x1C00, s25  }
0x13: {  	s9 =	sand.u32 $0x1C00, s9;
	s10 =	sand.u32 $0x1C00, s10;
	s11 =	sxor.u32 $0x1000, s8  }
0x14: {  	s12 =	sand.u32 $0x1C00, s12;
	s17 =	sadd.s32 $0x2400, s0;
	s21 =	smax.u32 s21, $0x1  }
0x15: {  	s25 =	simm.s32 $0x18F80;
	v0 =	vmov s29;
	s29 =	simm.s32 $0x1AF80;
	s1 =	sadd.s32 s1, s16  }
0x16: {  	s4 =	sadd.s32 s4, s16;
	s5 =	sadd.s32 s5, s16;
	s7 =	sadd.s32 s13, s7  }
0x17: {  	s8 =	sadd.s32 s13, s9;
	s9 =	sadd.s32 s13, s10;
	s10 =	sadd.s32 s13, s11  }
0x18: {  	s11 =	sand.u32 $0x1C00, s26;
	s12 =	sadd.s32 s13, s12;
	s14 =	sadd.s32 s18, s16  }
0x19: {  	s15 =	sadd.s32 s19, s16;
	s16 =	sadd.s32 s20, s16;
	s18 =	sadd.s32 $0x1E840, s18  }
0x1a: {  	s19 =	sadd.s32 $0x1E840, s19;
	[dreg:$0x8] =	wrdreg s1;
	s1 =	sadd.s32 $0x1C00, s24  }
0x1b: {  	s20 =	sadd.s32 $0x1E840, s20;
	s26 =	simm.s32 $0x1;
	s1 =	sand.u32 $0x1C00, s1  }
0x1c: {  	v1 =	vmov s30;
	s11 =	sadd.s32 s13, s11;
	s24 =	simm.s32 $0x16F80;
	s13 =	sadd.s32 s13, s1  }
.LBB2_1:
0x1d: {  	s0 =	rddreg [dreg:$0x8]  }
0x1e: {  	[tilespmem:s2], [sflag:$0x1] =	stream.linear.gather [hbm4b:s0+s2], $0x7A50, $0x38;
	[tilespmem:$0x1D000] =	vst v63  }
0x1f: {  	_ = 	snop  }
0x20: {  	[tilespmem:s22], [sflag:$0x1] =	stream.linear.gather [hbm4b:s4+s2], $0x7A50, $0x38;
	[tilespmem:$0x1D000] =	vst v63  }
0x21: {  	_ = 	snop  }
0x22: {  	[tilespmem:s23], [sflag:$0x1] =	stream.linear.gather [hbm4b:s5+s2], $0x7A50, $0x38;
	[tilespmem:$0x1D000] =	vst v63  }
0x23: {  	_ = 	snop  }
0x24: {  	[tilespmem:s24], [sflag:$0x2] =	stream.linear.gather [hbm4b:s6+s2], $0x2000, $0x38;
	[tilespmem:$0x1D000] =	vst v63  }
0x25: {  	_ = 	snop  }
0x26: {  	[tilespmem:s25], [sflag:$0x2] =	stream.linear.gather [hbm4b:s7+s2], $0x2000, $0x38;
	[tilespmem:$0x1D000] =	vst v63  }
0x27: {  	_ =	swait.ge [sflag:s26], $0x7A50  }
0x28: {  	[sflag:s26] =	ssyncset.done $0x0  }
0x29: {  	[sflag:s26] =	ssyncadd.s32 $0xFFFF85B0  }
0x2a: {  	_ =	swait.ge [sflag:s26], $0x7A50  }
0x2b: {  	[sflag:s26] =	ssyncset.done $0x0  }
0x2c: {  	[sflag:s26] =	ssyncadd.s32 $0xFFFF85B0  }
0x2d: {  	_ =	swait.ge [sflag:s26], $0x7A50  }
0x2e: {  	[sflag:s26] =	ssyncset.done $0x0  }
0x2f: {  	[sflag:s26] =	ssyncadd.s32 $0xFFFF85B0  }
0x30: {  	_ =	swait.ge [sflag:s28], $0x2000  }
0x31: {  	s3 =	sand.u32 $0x70, s2;
	s1 =	sand.u32 $0x1E00, s2;
	[sflag:s28] =	ssyncset.done $0x0  }
0x32: {  	s0 =	sor.u32 s3, s1;
	[sflag:s28] =	ssyncadd.s32 $0xFFFFE000  }
0x33: {  	[tilespmem:s29], [sflag:$0x2] =	stream.linear.gather [hbm4b:s8+s2], $0x2000, $0x38;
	[tilespmem:$0x1D000] =	vst v63  }
0x34: {  	v2 =	vld [tilespmem:s0+$0x16F80];
	_ =	sdelay $0x4  }
0x35: {  	v4 =	vsub.s32 v2, v0  }
0x36: {  	vm1 =	vlt.u32 v4, v1  }
0x37: {  	s0 =	sadd.s32 $0x16F80, s0  }
0x38: {  	v3 =	vld [tilespmem:s0+$0x100]  }
0x39: {  	v2 =	vld [tilespmem:s0+$0x80]  }
0x3a: {  	v5 =	vld [tilespmem:s0+$0x180];
	_ =	sdelay $0x1  }
0x3b: {  	v6 =	vld.idx.msk [tilespmem:v4+s2+$0x0], vm1  }
0x3c: {  	v7 =	vld.idx.msk [tilespmem:v4+s22+$0x0], vm1  }
0x3d: {  	v2 =	vadd.f32 $-7.599999760e-02, v2;
	v8 =	vld.idx.msk [tilespmem:v4+s23+$0x0], vm1  }
0x3e: {  	v3 =	vadd.f32 $-6.380000110e+00, v3;
	v5 =	vadd.f32 $-3.000000000e+00, v5  }
0x3f: {  	v9 =	vmul.f32 $1.000000050e-03, v2  }
0x40: {  	v10 =	vmul.f32 $1.000000050e-03, v3;
	v11 =	vmul.f32 $1.000000050e-03, v5  }
0x41: {  	v9 =	vadd.f32 v9, v6;
	v2 =	vmul.f32 v2, v6;
	v3 =	vmul.f32 v3, v7  }
0x42: {  	v61 =	vadd.f32 v10, v7;
	v62 =	vadd.f32 v11, v8  }
0x43: {  	v5 =	vmul.f32 v5, v8;
	v9 =	vmax.f32 v9, $0.0e+00;
	v3 =	vadd.f32 v3, v2  }
0x44: {  	s3 =	simm.s32 $0x10;
	s0 =	simm.s32 $0x40;
	v2 =	vmax.f32 v61, $0.0e+00;
	[tilespmem:v4+s2+$0x0] =	vst.idx.msk vm1, v9  }
0x45: {  	s30 =	sand.u32 $0x70, s3;
	s3 =	sand.u32 $0x1E00, s0;
	v63 =	vmax.f32 v62, $0.0e+00;
	[tilespmem:v4+s22+$0x0] =	vst.idx.msk vm1, v2;
	v3 =	vadd.f32 v5, v3  }
0x46: {  	s1 =	simm.s32 $0x20;
	s30 =	sor.u32 s30, s3;
	v2 =	vimm.f32 $0.0e+00;
	[tilespmem:v4+s23+$0x0] =	vst.idx.msk vm1, v63  }
.LBB2_2:
0x47: {  	p1 =	sne.s32 s1, $0x7F0;
	v4 =	vld [tilespmem:s30+$0x16F80];
	v3 =	vnsel vm1, $0x0, v3;
	s3 =	smov.u32 s1;
	s1 =	sadd.s32 $0x10, s1  }
0x48: {  	v2 =	vadd.f32 v3, v2;
	_ =	sdelay $0x3  }
0x49: {  	v4 =	vsub.s32 v4, v0  }
0x4a: {  	vm1 =	vlt.u32 v4, v1;
	_ =	sdelay $0x1  }
0x4b: {  	s30 =	sadd.s32 $0x16F80, s30  }
0x4c: {  	v3 =	vld [tilespmem:s30+$0x100]  }
0x4d: {  	v5 =	vld [tilespmem:s30+$0x80]  }
0x4e: {  	v6 =	vld [tilespmem:s30+$0x180]  }
0x4f: {  	v7 =	vld.idx.msk [tilespmem:v4+s2+$0x0], vm1  }
0x50: {  	v8 =	vld.idx.msk [tilespmem:v4+s22+$0x0], vm1  }
0x51: {  	v9 =	vld.idx.msk [tilespmem:v4+s23+$0x0], vm1;
	v3 =	vadd.f32 $-6.380000110e+00, v3  }
0x52: {  	v5 =	vadd.f32 $-7.599999760e-02, v5  }
0x53: {  	v6 =	vadd.f32 $-3.000000000e+00, v6  }
0x54: {  	v11 =	vmul.f32 $1.000000050e-03, v3;
	v10 =	vmul.f32 $1.000000050e-03, v5  }
0x55: {  	v5 =	vmul.f32 v5, v7;
	v12 =	vmul.f32 $1.000000050e-03, v6  }
0x56: {  	v3 =	vmul.f32 v3, v8;
	v8 =	vadd.f32 v11, v8;
	v7 =	vadd.f32 v10, v7  }
.Ltmp0:
0x57: {  	v6 =	vmul.f32 v6, v9;
	v9 =	vadd.f32 v12, v9;
	(pc) =	sbr.rel @p1 .LBB2_2-.Ltmp0, $4  }
0x58: {  	v3 =	vadd.f32 v3, v5;
	v5 =	vmax.f32 v7, $0.0e+00  }
0x59: {  	s0 =	sadd.s32 $0x40, s0;
	[tilespmem:v4+s2+$0x0] =	vst.idx.msk vm1, v5;
	v5 =	vmax.f32 v8, $0.0e+00  }
0x5a: {  	s3 =	sand.u32 $0x70, s3;
	s30 =	sand.u32 $0x1E00, s0;
	v3 =	vadd.f32 v6, v3;
	[tilespmem:v4+s22+$0x0] =	vst.idx.msk vm1, v5;
	v5 =	vmax.f32 v9, $0.0e+00  }
0x5b: {  	s30 =	sor.u32 s3, s30;
	[tilespmem:v4+s23+$0x0] =	vst.idx.msk vm1, v5  }
0x5c: {  	v4 =	vld [tilespmem:s30+$0x16F80];
	_ =	sdelay $0x4  }
0x5d: {  	v4 =	vsub.s32 v4, v0  }
0x5e: {  	vm2 =	vlt.u32 v4, v1  }
0x5f: {  	s0 =	sadd.s32 $0x16F80, s30  }
0x60: {  	v5 =	vld [tilespmem:s0+$0x80]  }
0x61: {  	v6 =	vld [tilespmem:s0+$0x100]  }
0x62: {  	v7 =	vld [tilespmem:s0+$0x180];
	_ =	sdelay $0x1  }
0x63: {  	v8 =	vld.idx.msk [tilespmem:v4+s2+$0x0], vm2  }
0x64: {  	v5 =	vadd.f32 $-7.599999760e-02, v5;
	v9 =	vld.idx.msk [tilespmem:v4+s22+$0x0], vm2  }
0x65: {  	v6 =	vadd.f32 $-6.380000110e+00, v6;
	v10 =	vld.idx.msk [tilespmem:v4+s23+$0x0], vm2  }
0x66: {  	v7 =	vadd.f32 $-3.000000000e+00, v7;
	v11 =	vmul.f32 $1.000000050e-03, v5  }
0x67: {  	v12 =	vmul.f32 $1.000000050e-03, v6  }
0x68: {  	v13 =	vmul.f32 $1.000000050e-03, v7;
	v11 =	vadd.f32 v11, v8  }
0x69: {  	v12 =	vadd.f32 v12, v9  }
0x6a: {  	v13 =	vadd.f32 v13, v10;
	v11 =	vmax.f32 v11, $0.0e+00  }
0x6b: {  	v50 =	vmax.f32 v12, $0.0e+00;
	[tilespmem:v4+s2+$0x0] =	vst.idx.msk vm2, v11  }
0x6c: {  	v51 =	vmax.f32 v13, $0.0e+00;
	[tilespmem:v4+s22+$0x0] =	vst.idx.msk vm2, v50  }
0x6d: {  	[tilespmem:v4+s23+$0x0] =	vst.idx.msk vm2, v51  }
0x6e: {  	s3 =	simm.s32 $0x0;
	_ =	swait.ge [sflag:s28], $0x2000  }
0x6f: {  	s1 =	sand.u32 $0x70, s3;
	s0 =	sand.u32 $0x1E00, s3;
	[sflag:s28] =	ssyncset.done $0x0  }
0x70: {  	s0 =	sor.u32 s1, s0;
	[sflag:s28] =	ssyncadd.s32 $0xFFFFE000  }
0x71: {  	[tilespmem:s24], [sflag:$0x2] =	stream.linear.gather [hbm4b:s9+s3], $0x2000, $0x38;
	[tilespmem:$0x1D000] =	vst v63  }
0x72: {  	v4 =	vld [tilespmem:s0+$0x18F80];
	_ =	sdelay $0x4  }
0x73: {  	v4 =	vsub.s32 v4, v0  }
0x74: {  	vm0 =	vlt.u32 v4, v1  }
0x75: {  	s0 =	sadd.s32 $0x18F80, s0  }
0x76: {  	v52 =	vld [tilespmem:s0+$0x80]  }
0x77: {  	v53 =	vld [tilespmem:s0+$0x100]  }
0x78: {  	v54 =	vld [tilespmem:s0+$0x180];
	_ =	sdelay $0x1  }
0x79: {  	v3 =	vnsel vm1, $0x0, v3;
	v5 =	vmul.f32 v5, v8;
	v6 =	vmul.f32 v6, v9;
	v14 =	vld.idx.msk [tilespmem:v4+s2+$0x0], vm0  }
0x7a: {  	v2 =	vadd.f32 v3, v2;
	v15 =	vld.idx.msk [tilespmem:v4+s22+$0x0], vm0  }
0x7b: {  	v5 =	vadd.f32 v6, v5;
	v11 =	vadd.f32 $-7.599999760e-02, v52;
	v55 =	vld.idx.msk [tilespmem:v4+s23+$0x0], vm0  }
0x7c: {  	v3 =	vmul.f32 v7, v10;
	v12 =	vadd.f32 $-6.380000110e+00, v53;
	v56 =	vadd.f32 $-3.000000000e+00, v54  }
0x7d: {  	v57 =	vmul.f32 $1.000000050e-03, v11  }
0x7e: {  	v3 =	vadd.f32 v3, v5;
	v58 =	vmul.f32 $1.000000050e-03, v12;
	v59 =	vmul.f32 $1.000000050e-03, v56  }
0x7f: {  	v60 =	vadd.f32 v57, v14;
	v11 =	vmul.f32 v11, v14;
	v12 =	vmul.f32 v12, v15  }
0x80: {  	v7 =	vadd.f32 v58, v15;
	v5 =	vadd.f32 v59, v55  }
0x81: {  	v8 =	vmul.f32 v56, v55;
	v61 =	vmax.f32 v60, $0.0e+00;
	v62 =	vadd.f32 v12, v11  }
0x82: {  	v3 =	vnsel vm2, $0x0, v3;
	s3 =	simm.s32 $0x10;
	s0 =	simm.s32 $0x40;
	v63 =	vmax.f32 v7, $0.0e+00;
	[tilespmem:v4+s2+$0x0] =	vst.idx.msk vm0, v61  }
0x83: {  	v2 =	vadd.f32 v3, v2;
	s3 =	sand.u32 $0x70, s3;
	s30 =	sand.u32 $0x1E00, s0;
	v5 =	vmax.f32 v5, $0.0e+00;
	[tilespmem:v4+s22+$0x0] =	vst.idx.msk vm0, v63;
	v3 =	vadd.f32 v8, v62  }
0x84: {  	s1 =	simm.s32 $0x20;
	s30 =	sor.u32 s3, s30;
	[tilespmem:v4+s23+$0x0] =	vst.idx.msk vm0, v5  }
.LBB2_4:
0x85: {  	p1 =	sne.s32 s1, $0x7F0;
	v4 =	vld [tilespmem:s30+$0x18F80];
	v3 =	vnsel vm0, $0x0, v3;
	s3 =	smov.u32 s1;
	s1 =	sadd.s32 $0x10, s1  }
0x86: {  	v2 =	vadd.f32 v3, v2;
	_ =	sdelay $0x3  }
0x87: {  	v4 =	vsub.s32 v4, v0  }
0x88: {  	vm0 =	vlt.u32 v4, v1;
	_ =	sdelay $0x1  }
0x89: {  	s30 =	sadd.s32 $0x18F80, s30  }
0x8a: {  	v3 =	vld [tilespmem:s30+$0x100]  }
0x8b: {  	v5 =	vld [tilespmem:s30+$0x80]  }
0x8c: {  	v6 =	vld [tilespmem:s30+$0x180]  }
0x8d: {  	v7 =	vld.idx.msk [tilespmem:v4+s2+$0x0], vm0  }
0x8e: {  	v8 =	vld.idx.msk [tilespmem:v4+s22+$0x0], vm0  }
0x8f: {  	v9 =	vld.idx.msk [tilespmem:v4+s23+$0x0], vm0;
	v3 =	vadd.f32 $-6.380000110e+00, v3  }
0x90: {  	v5 =	vadd.f32 $-7.599999760e-02, v5  }
0x91: {  	v6 =	vadd.f32 $-3.000000000e+00, v6  }
0x92: {  	v11 =	vmul.f32 $1.000000050e-03, v3;
	v10 =	vmul.f32 $1.000000050e-03, v5  }
0x93: {  	v5 =	vmul.f32 v5, v7;
	v12 =	vmul.f32 $1.000000050e-03, v6  }
0x94: {  	v3 =	vmul.f32 v3, v8;
	v8 =	vadd.f32 v11, v8;
	v7 =	vadd.f32 v10, v7  }
.Ltmp1:
0x95: {  	v6 =	vmul.f32 v6, v9;
	v9 =	vadd.f32 v12, v9;
	(pc) =	sbr.rel @p1 .LBB2_4-.Ltmp1, $4  }
0x96: {  	v3 =	vadd.f32 v3, v5;
	v5 =	vmax.f32 v7, $0.0e+00  }
0x97: {  	s0 =	sadd.s32 $0x40, s0;
	[tilespmem:v4+s2+$0x0] =	vst.idx.msk vm0, v5;
	v5 =	vmax.f32 v8, $0.0e+00  }
0x98: {  	s3 =	sand.u32 $0x70, s3;
	s30 =	sand.u32 $0x1E00, s0;
	v3 =	vadd.f32 v6, v3;
	[tilespmem:v4+s22+$0x0] =	vst.idx.msk vm0, v5;
	v5 =	vmax.f32 v9, $0.0e+00  }
0x99: {  	s30 =	sor.u32 s3, s30;
	[tilespmem:v4+s23+$0x0] =	vst.idx.msk vm0, v5  }
0x9a: {  	v4 =	vld [tilespmem:s30+$0x18F80];
	_ =	sdelay $0x4  }
0x9b: {  	v4 =	vsub.s32 v4, v0  }
0x9c: {  	vm2 =	vlt.u32 v4, v1  }
0x9d: {  	s0 =	sadd.s32 $0x18F80, s30  }
0x9e: {  	v5 =	vld [tilespmem:s0+$0x80]  }
0x9f: {  	v6 =	vld [tilespmem:s0+$0x100]  }
0xa0: {  	v7 =	vld [tilespmem:s0+$0x180];
	_ =	sdelay $0x1  }
0xa1: {  	v8 =	vld.idx.msk [tilespmem:v4+s2+$0x0], vm2  }
0xa2: {  	v5 =	vadd.f32 $-7.599999760e-02, v5;
	v9 =	vld.idx.msk [tilespmem:v4+s22+$0x0], vm2  }
0xa3: {  	v6 =	vadd.f32 $-6.380000110e+00, v6;
	v10 =	vld.idx.msk [tilespmem:v4+s23+$0x0], vm2  }
0xa4: {  	v7 =	vadd.f32 $-3.000000000e+00, v7;
	v11 =	vmul.f32 $1.000000050e-03, v5  }
0xa5: {  	v12 =	vmul.f32 $1.000000050e-03, v6  }
0xa6: {  	v13 =	vmul.f32 $1.000000050e-03, v7;
	v11 =	vadd.f32 v11, v8  }
0xa7: {  	v12 =	vadd.f32 v12, v9  }
0xa8: {  	v13 =	vadd.f32 v13, v10;
	v11 =	vmax.f32 v11, $0.0e+00  }
0xa9: {  	v50 =	vmax.f32 v12, $0.0e+00;
	[tilespmem:v4+s2+$0x0] =	vst.idx.msk vm2, v11  }
0xaa: {  	v51 =	vmax.f32 v13, $0.0e+00;
	[tilespmem:v4+s22+$0x0] =	vst.idx.msk vm2, v50  }
0xab: {  	[tilespmem:v4+s23+$0x0] =	vst.idx.msk vm2, v51  }
0xac: {  	s3 =	simm.s32 $0x0;
	_ =	swait.ge [sflag:s28], $0x2000  }
0xad: {  	s1 =	sand.u32 $0x70, s3;
	s0 =	sand.u32 $0x1E00, s3;
	[sflag:s28] =	ssyncset.done $0x0  }
0xae: {  	s0 =	sor.u32 s1, s0;
	[sflag:s28] =	ssyncadd.s32 $0xFFFFE000  }
0xaf: {  	[tilespmem:s25], [sflag:$0x2] =	stream.linear.gather [hbm4b:s10+s3], $0x2000, $0x38;
	[tilespmem:$0x1D000] =	vst v63  }
0xb0: {  	v4 =	vld [tilespmem:s0+$0x1AF80];
	_ =	sdelay $0x4  }
0xb1: {  	v4 =	vsub.s32 v4, v0  }
0xb2: {  	vm1 =	vlt.u32 v4, v1  }
0xb3: {  	s0 =	sadd.s32 $0x1AF80, s0  }
0xb4: {  	v52 =	vld [tilespmem:s0+$0x80]  }
0xb5: {  	v53 =	vld [tilespmem:s0+$0x100]  }
0xb6: {  	v54 =	vld [tilespmem:s0+$0x180];
	_ =	sdelay $0x1  }
0xb7: {  	v3 =	vnsel vm0, $0x0, v3;
	v5 =	vmul.f32 v5, v8;
	v6 =	vmul.f32 v6, v9;
	v14 =	vld.idx.msk [tilespmem:v4+s2+$0x0], vm1  }
0xb8: {  	v2 =	vadd.f32 v3, v2;
	v15 =	vld.idx.msk [tilespmem:v4+s22+$0x0], vm1  }
0xb9: {  	v5 =	vadd.f32 v6, v5;
	v11 =	vadd.f32 $-7.599999760e-02, v52;
	v55 =	vld.idx.msk [tilespmem:v4+s23+$0x0], vm1  }
0xba: {  	v3 =	vmul.f32 v7, v10;
	v12 =	vadd.f32 $-6.380000110e+00, v53;
	v56 =	vadd.f32 $-3.000000000e+00, v54  }
0xbb: {  	v57 =	vmul.f32 $1.000000050e-03, v11  }
0xbc: {  	v3 =	vadd.f32 v3, v5;
	v58 =	vmul.f32 $1.000000050e-03, v12;
	v59 =	vmul.f32 $1.000000050e-03, v56  }
0xbd: {  	v60 =	vadd.f32 v57, v14;
	v11 =	vmul.f32 v11, v14;
	v12 =	vmul.f32 v12, v15  }
0xbe: {  	v7 =	vadd.f32 v58, v15;
	v5 =	vadd.f32 v59, v55  }
0xbf: {  	v8 =	vmul.f32 v56, v55;
	v61 =	vmax.f32 v60, $0.0e+00;
	v62 =	vadd.f32 v12, v11  }
0xc0: {  	v3 =	vnsel vm2, $0x0, v3;
	s3 =	simm.s32 $0x10;
	s0 =	simm.s32 $0x40;
	v63 =	vmax.f32 v7, $0.0e+00;
	[tilespmem:v4+s2+$0x0] =	vst.idx.msk vm1, v61  }
0xc1: {  	v2 =	vadd.f32 v3, v2;
	s3 =	sand.u32 $0x70, s3;
	s30 =	sand.u32 $0x1E00, s0;
	v5 =	vmax.f32 v5, $0.0e+00;
	[tilespmem:v4+s22+$0x0] =	vst.idx.msk vm1, v63;
	v3 =	vadd.f32 v8, v62  }
0xc2: {  	s1 =	simm.s32 $0x20;
	s30 =	sor.u32 s3, s30;
	[tilespmem:v4+s23+$0x0] =	vst.idx.msk vm1, v5  }
.LBB2_6:
0xc3: {  	p1 =	sne.s32 s1, $0x7F0;
	v4 =	vld [tilespmem:s30+$0x1AF80];
	v3 =	vnsel vm1, $0x0, v3;
	s3 =	smov.u32 s1;
	s1 =	sadd.s32 $0x10, s1  }
0xc4: {  	v2 =	vadd.f32 v3, v2;
	_ =	sdelay $0x3  }
0xc5: {  	v4 =	vsub.s32 v4, v0  }
0xc6: {  	vm1 =	vlt.u32 v4, v1;
	_ =	sdelay $0x1  }
0xc7: {  	s30 =	sadd.s32 $0x1AF80, s30  }
0xc8: {  	v3 =	vld [tilespmem:s30+$0x100]  }
0xc9: {  	v5 =	vld [tilespmem:s30+$0x80]  }
0xca: {  	v6 =	vld [tilespmem:s30+$0x180]  }
0xcb: {  	v7 =	vld.idx.msk [tilespmem:v4+s2+$0x0], vm1  }
0xcc: {  	v8 =	vld.idx.msk [tilespmem:v4+s22+$0x0], vm1  }
0xcd: {  	v9 =	vld.idx.msk [tilespmem:v4+s23+$0x0], vm1;
	v3 =	vadd.f32 $-6.380000110e+00, v3  }
0xce: {  	v5 =	vadd.f32 $-7.599999760e-02, v5  }
0xcf: {  	v6 =	vadd.f32 $-3.000000000e+00, v6  }
0xd0: {  	v11 =	vmul.f32 $1.000000050e-03, v3;
	v10 =	vmul.f32 $1.000000050e-03, v5  }
0xd1: {  	v5 =	vmul.f32 v5, v7;
	v12 =	vmul.f32 $1.000000050e-03, v6  }
0xd2: {  	v3 =	vmul.f32 v3, v8;
	v8 =	vadd.f32 v11, v8;
	v7 =	vadd.f32 v10, v7  }
.Ltmp2:
0xd3: {  	v6 =	vmul.f32 v6, v9;
	v9 =	vadd.f32 v12, v9;
	(pc) =	sbr.rel @p1 .LBB2_6-.Ltmp2, $4  }
0xd4: {  	v3 =	vadd.f32 v3, v5;
	v5 =	vmax.f32 v7, $0.0e+00  }
0xd5: {  	s0 =	sadd.s32 $0x40, s0;
	[tilespmem:v4+s2+$0x0] =	vst.idx.msk vm1, v5;
	v5 =	vmax.f32 v8, $0.0e+00  }
0xd6: {  	s3 =	sand.u32 $0x70, s3;
	s30 =	sand.u32 $0x1E00, s0;
	v3 =	vadd.f32 v6, v3;
	[tilespmem:v4+s22+$0x0] =	vst.idx.msk vm1, v5;
	v5 =	vmax.f32 v9, $0.0e+00  }
0xd7: {  	s30 =	sor.u32 s3, s30;
	[tilespmem:v4+s23+$0x0] =	vst.idx.msk vm1, v5  }
0xd8: {  	v4 =	vld [tilespmem:s30+$0x1AF80];
	_ =	sdelay $0x4  }
0xd9: {  	v4 =	vsub.s32 v4, v0  }
0xda: {  	vm2 =	vlt.u32 v4, v1  }
0xdb: {  	s0 =	sadd.s32 $0x1AF80, s30  }
0xdc: {  	v5 =	vld [tilespmem:s0+$0x80]  }
0xdd: {  	v6 =	vld [tilespmem:s0+$0x100]  }
0xde: {  	v7 =	vld [tilespmem:s0+$0x180];
	_ =	sdelay $0x1  }
0xdf: {  	v8 =	vld.idx.msk [tilespmem:v4+s2+$0x0], vm2  }
0xe0: {  	v5 =	vadd.f32 $-7.599999760e-02, v5;
	v9 =	vld.idx.msk [tilespmem:v4+s22+$0x0], vm2  }
0xe1: {  	v6 =	vadd.f32 $-6.380000110e+00, v6;
	v10 =	vld.idx.msk [tilespmem:v4+s23+$0x0], vm2  }
0xe2: {  	v7 =	vadd.f32 $-3.000000000e+00, v7;
	v11 =	vmul.f32 $1.000000050e-03, v5  }
0xe3: {  	v12 =	vmul.f32 $1.000000050e-03, v6  }
0xe4: {  	v13 =	vmul.f32 $1.000000050e-03, v7;
	v11 =	vadd.f32 v11, v8  }
0xe5: {  	v12 =	vadd.f32 v12, v9  }
0xe6: {  	v13 =	vadd.f32 v13, v10;
	v11 =	vmax.f32 v11, $0.0e+00  }
0xe7: {  	v50 =	vmax.f32 v12, $0.0e+00;
	[tilespmem:v4+s2+$0x0] =	vst.idx.msk vm2, v11  }
0xe8: {  	v51 =	vmax.f32 v13, $0.0e+00;
	[tilespmem:v4+s22+$0x0] =	vst.idx.msk vm2, v50  }
0xe9: {  	[tilespmem:v4+s23+$0x0] =	vst.idx.msk vm2, v51  }
0xea: {  	s3 =	simm.s32 $0x0;
	_ =	swait.ge [sflag:s28], $0x2000  }
0xeb: {  	s1 =	sand.u32 $0x70, s3;
	s0 =	sand.u32 $0x1E00, s3;
	[sflag:s28] =	ssyncset.done $0x0  }
0xec: {  	s0 =	sor.u32 s1, s0;
	[sflag:s28] =	ssyncadd.s32 $0xFFFFE000  }
0xed: {  	[tilespmem:s29], [sflag:$0x2] =	stream.linear.gather [hbm4b:s11+s3], $0x2000, $0x38;
	[tilespmem:$0x1D000] =	vst v63  }
0xee: {  	v4 =	vld [tilespmem:s0+$0x16F80];
	_ =	sdelay $0x4  }
0xef: {  	v4 =	vsub.s32 v4, v0  }
0xf0: {  	vm0 =	vlt.u32 v4, v1  }
0xf1: {  	s0 =	sadd.s32 $0x16F80, s0  }
0xf2: {  	v52 =	vld [tilespmem:s0+$0x80]  }
0xf3: {  	v53 =	vld [tilespmem:s0+$0x100]  }
0xf4: {  	v54 =	vld [tilespmem:s0+$0x180];
	_ =	sdelay $0x1  }
0xf5: {  	v3 =	vnsel vm1, $0x0, v3;
	v5 =	vmul.f32 v5, v8;
	v6 =	vmul.f32 v6, v9;
	v14 =	vld.idx.msk [tilespmem:v4+s2+$0x0], vm0  }
0xf6: {  	v2 =	vadd.f32 v3, v2;
	v15 =	vld.idx.msk [tilespmem:v4+s22+$0x0], vm0  }
0xf7: {  	v5 =	vadd.f32 v6, v5;
	v11 =	vadd.f32 $-7.599999760e-02, v52;
	v55 =	vld.idx.msk [tilespmem:v4+s23+$0x0], vm0  }
0xf8: {  	v3 =	vmul.f32 v7, v10;
	v12 =	vadd.f32 $-6.380000110e+00, v53;
	v56 =	vadd.f32 $-3.000000000e+00, v54  }
0xf9: {  	v57 =	vmul.f32 $1.000000050e-03, v11  }
0xfa: {  	v3 =	vadd.f32 v3, v5;
	v58 =	vmul.f32 $1.000000050e-03, v12;
	v59 =	vmul.f32 $1.000000050e-03, v56  }
0xfb: {  	v60 =	vadd.f32 v57, v14;
	v11 =	vmul.f32 v11, v14;
	v12 =	vmul.f32 v12, v15  }
0xfc: {  	v7 =	vadd.f32 v58, v15;
	v5 =	vadd.f32 v59, v55  }
0xfd: {  	v8 =	vmul.f32 v56, v55;
	v61 =	vmax.f32 v60, $0.0e+00;
	v62 =	vadd.f32 v12, v11  }
0xfe: {  	v3 =	vnsel vm2, $0x0, v3;
	s3 =	simm.s32 $0x10;
	s0 =	simm.s32 $0x40;
	v63 =	vmax.f32 v7, $0.0e+00;
	[tilespmem:v4+s2+$0x0] =	vst.idx.msk vm0, v61  }
0xff: {  	v2 =	vadd.f32 v3, v2;
	s3 =	sand.u32 $0x70, s3;
	s30 =	sand.u32 $0x1E00, s0;
	v5 =	vmax.f32 v5, $0.0e+00;
	[tilespmem:v4+s22+$0x0] =	vst.idx.msk vm0, v63;
	v3 =	vadd.f32 v8, v62  }
0x100: {  	s1 =	simm.s32 $0x20;
	s30 =	sor.u32 s3, s30;
	[tilespmem:v4+s23+$0x0] =	vst.idx.msk vm0, v5  }
.LBB2_8:
0x101: {  	p1 =	sne.s32 s1, $0x7F0;
	v4 =	vld [tilespmem:s30+$0x16F80];
	v3 =	vnsel vm0, $0x0, v3;
	s3 =	smov.u32 s1;
	s1 =	sadd.s32 $0x10, s1  }
0x102: {  	v2 =	vadd.f32 v3, v2;
	_ =	sdelay $0x3  }
0x103: {  	v4 =	vsub.s32 v4, v0  }
0x104: {  	vm0 =	vlt.u32 v4, v1;
	_ =	sdelay $0x1  }
0x105: {  	s30 =	sadd.s32 $0x16F80, s30  }
0x106: {  	v3 =	vld [tilespmem:s30+$0x100]  }
0x107: {  	v5 =	vld [tilespmem:s30+$0x80]  }
0x108: {  	v6 =	vld [tilespmem:s30+$0x180]  }
0x109: {  	v7 =	vld.idx.msk [tilespmem:v4+s2+$0x0], vm0  }
0x10a: {  	v8 =	vld.idx.msk [tilespmem:v4+s22+$0x0], vm0  }
0x10b: {  	v9 =	vld.idx.msk [tilespmem:v4+s23+$0x0], vm0;
	v3 =	vadd.f32 $-6.380000110e+00, v3  }
0x10c: {  	v5 =	vadd.f32 $-7.599999760e-02, v5  }
0x10d: {  	v6 =	vadd.f32 $-3.000000000e+00, v6  }
0x10e: {  	v11 =	vmul.f32 $1.000000050e-03, v3;
	v10 =	vmul.f32 $1.000000050e-03, v5  }
0x10f: {  	v5 =	vmul.f32 v5, v7;
	v12 =	vmul.f32 $1.000000050e-03, v6  }
0x110: {  	v3 =	vmul.f32 v3, v8;
	v8 =	vadd.f32 v11, v8;
	v7 =	vadd.f32 v10, v7  }
.Ltmp3:
0x111: {  	v6 =	vmul.f32 v6, v9;
	v9 =	vadd.f32 v12, v9;
	(pc) =	sbr.rel @p1 .LBB2_8-.Ltmp3, $4  }
0x112: {  	v3 =	vadd.f32 v3, v5;
	v5 =	vmax.f32 v7, $0.0e+00  }
0x113: {  	s0 =	sadd.s32 $0x40, s0;
	[tilespmem:v4+s2+$0x0] =	vst.idx.msk vm0, v5;
	v5 =	vmax.f32 v8, $0.0e+00  }
0x114: {  	s3 =	sand.u32 $0x70, s3;
	s30 =	sand.u32 $0x1E00, s0;
	v3 =	vadd.f32 v6, v3;
	[tilespmem:v4+s22+$0x0] =	vst.idx.msk vm0, v5;
	v5 =	vmax.f32 v9, $0.0e+00  }
0x115: {  	s30 =	sor.u32 s3, s30;
	[tilespmem:v4+s23+$0x0] =	vst.idx.msk vm0, v5  }
0x116: {  	v4 =	vld [tilespmem:s30+$0x16F80];
	_ =	sdelay $0x4  }
0x117: {  	v4 =	vsub.s32 v4, v0  }
0x118: {  	vm2 =	vlt.u32 v4, v1  }
0x119: {  	s0 =	sadd.s32 $0x16F80, s30  }
0x11a: {  	v5 =	vld [tilespmem:s0+$0x80]  }
0x11b: {  	v6 =	vld [tilespmem:s0+$0x100]  }
0x11c: {  	v7 =	vld [tilespmem:s0+$0x180];
	_ =	sdelay $0x1  }
0x11d: {  	v8 =	vld.idx.msk [tilespmem:v4+s2+$0x0], vm2  }
0x11e: {  	v5 =	vadd.f32 $-7.599999760e-02, v5;
	v9 =	vld.idx.msk [tilespmem:v4+s22+$0x0], vm2  }
0x11f: {  	v6 =	vadd.f32 $-6.380000110e+00, v6;
	v10 =	vld.idx.msk [tilespmem:v4+s23+$0x0], vm2  }
0x120: {  	v7 =	vadd.f32 $-3.000000000e+00, v7;
	v11 =	vmul.f32 $1.000000050e-03, v5  }
0x121: {  	v12 =	vmul.f32 $1.000000050e-03, v6  }
0x122: {  	v13 =	vmul.f32 $1.000000050e-03, v7;
	v11 =	vadd.f32 v11, v8  }
0x123: {  	v12 =	vadd.f32 v12, v9  }
0x124: {  	v13 =	vadd.f32 v13, v10;
	v11 =	vmax.f32 v11, $0.0e+00  }
0x125: {  	v50 =	vmax.f32 v12, $0.0e+00;
	[tilespmem:v4+s2+$0x0] =	vst.idx.msk vm2, v11  }
0x126: {  	v51 =	vmax.f32 v13, $0.0e+00;
	[tilespmem:v4+s22+$0x0] =	vst.idx.msk vm2, v50  }
0x127: {  	[tilespmem:v4+s23+$0x0] =	vst.idx.msk vm2, v51  }
0x128: {  	s3 =	simm.s32 $0x0;
	_ =	swait.ge [sflag:s28], $0x2000  }
0x129: {  	s1 =	sand.u32 $0x70, s3;
	s0 =	sand.u32 $0x1E00, s3;
	[sflag:s28] =	ssyncset.done $0x0  }
0x12a: {  	s0 =	sor.u32 s1, s0;
	[sflag:s28] =	ssyncadd.s32 $0xFFFFE000  }
0x12b: {  	[tilespmem:s24], [sflag:$0x2] =	stream.linear.gather [hbm4b:s12+s3], $0x2000, $0x38;
	[tilespmem:$0x1D000] =	vst v63  }
0x12c: {  	v4 =	vld [tilespmem:s0+$0x18F80];
	_ =	sdelay $0x4  }
0x12d: {  	v4 =	vsub.s32 v4, v0  }
0x12e: {  	vm1 =	vlt.u32 v4, v1  }
0x12f: {  	s0 =	sadd.s32 $0x18F80, s0  }
0x130: {  	v52 =	vld [tilespmem:s0+$0x80]  }
0x131: {  	v53 =	vld [tilespmem:s0+$0x100]  }
0x132: {  	v54 =	vld [tilespmem:s0+$0x180];
	_ =	sdelay $0x1  }
0x133: {  	v3 =	vnsel vm0, $0x0, v3;
	v5 =	vmul.f32 v5, v8;
	v6 =	vmul.f32 v6, v9;
	v14 =	vld.idx.msk [tilespmem:v4+s2+$0x0], vm1  }
0x134: {  	v2 =	vadd.f32 v3, v2;
	v15 =	vld.idx.msk [tilespmem:v4+s22+$0x0], vm1  }
0x135: {  	v5 =	vadd.f32 v6, v5;
	v11 =	vadd.f32 $-7.599999760e-02, v52;
	v55 =	vld.idx.msk [tilespmem:v4+s23+$0x0], vm1  }
0x136: {  	v3 =	vmul.f32 v7, v10;
	v12 =	vadd.f32 $-6.380000110e+00, v53;
	v56 =	vadd.f32 $-3.000000000e+00, v54  }
0x137: {  	v57 =	vmul.f32 $1.000000050e-03, v11  }
0x138: {  	v3 =	vadd.f32 v3, v5;
	v58 =	vmul.f32 $1.000000050e-03, v12;
	v59 =	vmul.f32 $1.000000050e-03, v56  }
0x139: {  	v60 =	vadd.f32 v57, v14;
	v11 =	vmul.f32 v11, v14;
	v12 =	vmul.f32 v12, v15  }
0x13a: {  	v7 =	vadd.f32 v58, v15;
	v5 =	vadd.f32 v59, v55  }
0x13b: {  	v8 =	vmul.f32 v56, v55;
	v61 =	vmax.f32 v60, $0.0e+00;
	v62 =	vadd.f32 v12, v11  }
0x13c: {  	v3 =	vnsel vm2, $0x0, v3;
	s3 =	simm.s32 $0x10;
	s0 =	simm.s32 $0x40;
	v63 =	vmax.f32 v7, $0.0e+00;
	[tilespmem:v4+s2+$0x0] =	vst.idx.msk vm1, v61  }
0x13d: {  	v2 =	vadd.f32 v3, v2;
	s3 =	sand.u32 $0x70, s3;
	s30 =	sand.u32 $0x1E00, s0;
	v5 =	vmax.f32 v5, $0.0e+00;
	[tilespmem:v4+s22+$0x0] =	vst.idx.msk vm1, v63;
	v3 =	vadd.f32 v8, v62  }
0x13e: {  	s1 =	simm.s32 $0x20;
	s30 =	sor.u32 s3, s30;
	[tilespmem:v4+s23+$0x0] =	vst.idx.msk vm1, v5  }
.LBB2_10:
0x13f: {  	p1 =	sne.s32 s1, $0x7F0;
	v4 =	vld [tilespmem:s30+$0x18F80];
	v3 =	vnsel vm1, $0x0, v3;
	s3 =	smov.u32 s1;
	s1 =	sadd.s32 $0x10, s1  }
0x140: {  	v2 =	vadd.f32 v3, v2;
	_ =	sdelay $0x3  }
0x141: {  	v4 =	vsub.s32 v4, v0  }
0x142: {  	vm1 =	vlt.u32 v4, v1;
	_ =	sdelay $0x1  }
0x143: {  	s30 =	sadd.s32 $0x18F80, s30  }
0x144: {  	v3 =	vld [tilespmem:s30+$0x100]  }
0x145: {  	v5 =	vld [tilespmem:s30+$0x80]  }
0x146: {  	v6 =	vld [tilespmem:s30+$0x180]  }
0x147: {  	v7 =	vld.idx.msk [tilespmem:v4+s2+$0x0], vm1  }
0x148: {  	v8 =	vld.idx.msk [tilespmem:v4+s22+$0x0], vm1  }
0x149: {  	v9 =	vld.idx.msk [tilespmem:v4+s23+$0x0], vm1;
	v3 =	vadd.f32 $-6.380000110e+00, v3  }
0x14a: {  	v5 =	vadd.f32 $-7.599999760e-02, v5  }
0x14b: {  	v6 =	vadd.f32 $-3.000000000e+00, v6  }
0x14c: {  	v11 =	vmul.f32 $1.000000050e-03, v3;
	v10 =	vmul.f32 $1.000000050e-03, v5  }
0x14d: {  	v5 =	vmul.f32 v5, v7;
	v12 =	vmul.f32 $1.000000050e-03, v6  }
0x14e: {  	v3 =	vmul.f32 v3, v8;
	v8 =	vadd.f32 v11, v8;
	v7 =	vadd.f32 v10, v7  }
.Ltmp4:
0x14f: {  	v6 =	vmul.f32 v6, v9;
	v9 =	vadd.f32 v12, v9;
	(pc) =	sbr.rel @p1 .LBB2_10-.Ltmp4, $4  }
0x150: {  	v3 =	vadd.f32 v3, v5;
	v5 =	vmax.f32 v7, $0.0e+00  }
0x151: {  	s0 =	sadd.s32 $0x40, s0;
	[tilespmem:v4+s2+$0x0] =	vst.idx.msk vm1, v5;
	v5 =	vmax.f32 v8, $0.0e+00  }
0x152: {  	s3 =	sand.u32 $0x70, s3;
	s30 =	sand.u32 $0x1E00, s0;
	v3 =	vadd.f32 v6, v3;
	[tilespmem:v4+s22+$0x0] =	vst.idx.msk vm1, v5;
	v5 =	vmax.f32 v9, $0.0e+00  }
0x153: {  	s30 =	sor.u32 s3, s30;
	[tilespmem:v4+s23+$0x0] =	vst.idx.msk vm1, v5  }
0x154: {  	v4 =	vld [tilespmem:s30+$0x18F80];
	_ =	sdelay $0x4  }
0x155: {  	v4 =	vsub.s32 v4, v0  }
0x156: {  	vm2 =	vlt.u32 v4, v1  }
0x157: {  	s0 =	sadd.s32 $0x18F80, s30  }
0x158: {  	v5 =	vld [tilespmem:s0+$0x80]  }
0x159: {  	v6 =	vld [tilespmem:s0+$0x100]  }
0x15a: {  	v7 =	vld [tilespmem:s0+$0x180];
	_ =	sdelay $0x1  }
0x15b: {  	v8 =	vld.idx.msk [tilespmem:v4+s2+$0x0], vm2  }
0x15c: {  	v5 =	vadd.f32 $-7.599999760e-02, v5;
	v9 =	vld.idx.msk [tilespmem:v4+s22+$0x0], vm2  }
0x15d: {  	v6 =	vadd.f32 $-6.380000110e+00, v6;
	v10 =	vld.idx.msk [tilespmem:v4+s23+$0x0], vm2  }
0x15e: {  	v7 =	vadd.f32 $-3.000000000e+00, v7;
	v11 =	vmul.f32 $1.000000050e-03, v5  }
0x15f: {  	v12 =	vmul.f32 $1.000000050e-03, v6  }
0x160: {  	v13 =	vmul.f32 $1.000000050e-03, v7;
	v11 =	vadd.f32 v11, v8  }
0x161: {  	v12 =	vadd.f32 v12, v9  }
0x162: {  	v13 =	vadd.f32 v13, v10;
	v11 =	vmax.f32 v11, $0.0e+00  }
0x163: {  	v50 =	vmax.f32 v12, $0.0e+00;
	[tilespmem:v4+s2+$0x0] =	vst.idx.msk vm2, v11  }
0x164: {  	v51 =	vmax.f32 v13, $0.0e+00;
	[tilespmem:v4+s22+$0x0] =	vst.idx.msk vm2, v50  }
0x165: {  	[tilespmem:v4+s23+$0x0] =	vst.idx.msk vm2, v51  }
0x166: {  	s3 =	simm.s32 $0x0;
	_ =	swait.ge [sflag:s28], $0x2000  }
0x167: {  	s1 =	sand.u32 $0x70, s3;
	s0 =	sand.u32 $0x1E00, s3;
	[sflag:s28] =	ssyncset.done $0x0  }
0x168: {  	s0 =	sor.u32 s1, s0;
	[sflag:s28] =	ssyncadd.s32 $0xFFFFE000  }
0x169: {  	[tilespmem:s25], [sflag:$0x2] =	stream.linear.gather [hbm4b:s13+s3], $0x2000, $0x38;
	[tilespmem:$0x1D000] =	vst v63  }
0x16a: {  	v4 =	vld [tilespmem:s0+$0x1AF80];
	_ =	sdelay $0x4  }
0x16b: {  	v4 =	vsub.s32 v4, v0  }
0x16c: {  	vm0 =	vlt.u32 v4, v1  }
0x16d: {  	s0 =	sadd.s32 $0x1AF80, s0  }
0x16e: {  	v52 =	vld [tilespmem:s0+$0x80]  }
0x16f: {  	v53 =	vld [tilespmem:s0+$0x100]  }
0x170: {  	v54 =	vld [tilespmem:s0+$0x180];
	_ =	sdelay $0x1  }
0x171: {  	v3 =	vnsel vm1, $0x0, v3;
	v5 =	vmul.f32 v5, v8;
	v6 =	vmul.f32 v6, v9;
	v14 =	vld.idx.msk [tilespmem:v4+s2+$0x0], vm0  }
0x172: {  	v2 =	vadd.f32 v3, v2;
	v15 =	vld.idx.msk [tilespmem:v4+s22+$0x0], vm0  }
0x173: {  	v5 =	vadd.f32 v6, v5;
	v11 =	vadd.f32 $-7.599999760e-02, v52;
	v55 =	vld.idx.msk [tilespmem:v4+s23+$0x0], vm0  }
0x174: {  	v3 =	vmul.f32 v7, v10;
	v12 =	vadd.f32 $-6.380000110e+00, v53;
	v56 =	vadd.f32 $-3.000000000e+00, v54  }
0x175: {  	v57 =	vmul.f32 $1.000000050e-03, v11  }
0x176: {  	v3 =	vadd.f32 v3, v5;
	v58 =	vmul.f32 $1.000000050e-03, v12;
	v59 =	vmul.f32 $1.000000050e-03, v56  }
0x177: {  	v60 =	vadd.f32 v57, v14;
	v11 =	vmul.f32 v11, v14;
	v12 =	vmul.f32 v12, v15  }
0x178: {  	v7 =	vadd.f32 v58, v15;
	v5 =	vadd.f32 v59, v55  }
0x179: {  	v8 =	vmul.f32 v56, v55;
	v61 =	vmax.f32 v60, $0.0e+00;
	v62 =	vadd.f32 v12, v11  }
0x17a: {  	v3 =	vnsel vm2, $0x0, v3;
	s3 =	simm.s32 $0x10;
	s0 =	simm.s32 $0x40;
	v63 =	vmax.f32 v7, $0.0e+00;
	[tilespmem:v4+s2+$0x0] =	vst.idx.msk vm0, v61  }
0x17b: {  	v2 =	vadd.f32 v3, v2;
	s3 =	sand.u32 $0x70, s3;
	s30 =	sand.u32 $0x1E00, s0;
	v5 =	vmax.f32 v5, $0.0e+00;
	[tilespmem:v4+s22+$0x0] =	vst.idx.msk vm0, v63;
	v3 =	vadd.f32 v8, v62  }
0x17c: {  	s1 =	simm.s32 $0x20;
	s30 =	sor.u32 s3, s30;
	[tilespmem:v4+s23+$0x0] =	vst.idx.msk vm0, v5  }
.LBB2_12:
0x17d: {  	p1 =	sne.s32 s1, $0x7F0;
	v4 =	vld [tilespmem:s30+$0x1AF80];
	v3 =	vnsel vm0, $0x0, v3;
	s3 =	smov.u32 s1;
	s1 =	sadd.s32 $0x10, s1  }
0x17e: {  	v2 =	vadd.f32 v3, v2;
	_ =	sdelay $0x3  }
0x17f: {  	v4 =	vsub.s32 v4, v0  }
0x180: {  	vm0 =	vlt.u32 v4, v1;
	_ =	sdelay $0x1  }
0x181: {  	s30 =	sadd.s32 $0x1AF80, s30  }
0x182: {  	v3 =	vld [tilespmem:s30+$0x100]  }
0x183: {  	v5 =	vld [tilespmem:s30+$0x80]  }
0x184: {  	v6 =	vld [tilespmem:s30+$0x180]  }
0x185: {  	v7 =	vld.idx.msk [tilespmem:v4+s2+$0x0], vm0  }
0x186: {  	v8 =	vld.idx.msk [tilespmem:v4+s22+$0x0], vm0  }
0x187: {  	v9 =	vld.idx.msk [tilespmem:v4+s23+$0x0], vm0;
	v3 =	vadd.f32 $-6.380000110e+00, v3  }
0x188: {  	v5 =	vadd.f32 $-7.599999760e-02, v5  }
0x189: {  	v6 =	vadd.f32 $-3.000000000e+00, v6  }
0x18a: {  	v11 =	vmul.f32 $1.000000050e-03, v3;
	v10 =	vmul.f32 $1.000000050e-03, v5  }
0x18b: {  	v5 =	vmul.f32 v5, v7;
	v12 =	vmul.f32 $1.000000050e-03, v6  }
0x18c: {  	v3 =	vmul.f32 v3, v8;
	v8 =	vadd.f32 v11, v8;
	v7 =	vadd.f32 v10, v7  }
.Ltmp5:
0x18d: {  	v6 =	vmul.f32 v6, v9;
	v9 =	vadd.f32 v12, v9;
	(pc) =	sbr.rel @p1 .LBB2_12-.Ltmp5, $4  }
0x18e: {  	v3 =	vadd.f32 v3, v5;
	v5 =	vmax.f32 v7, $0.0e+00  }
0x18f: {  	s0 =	sadd.s32 $0x40, s0;
	[tilespmem:v4+s2+$0x0] =	vst.idx.msk vm0, v5;
	v5 =	vmax.f32 v8, $0.0e+00  }
0x190: {  	s3 =	sand.u32 $0x70, s3;
	s30 =	sand.u32 $0x1E00, s0;
	v3 =	vadd.f32 v6, v3;
	[tilespmem:v4+s22+$0x0] =	vst.idx.msk vm0, v5;
	v5 =	vmax.f32 v9, $0.0e+00  }
0x191: {  	s30 =	sor.u32 s3, s30;
	[tilespmem:v4+s23+$0x0] =	vst.idx.msk vm0, v5  }
0x192: {  	v4 =	vld [tilespmem:s30+$0x1AF80];
	_ =	sdelay $0x4  }
0x193: {  	v4 =	vsub.s32 v4, v0  }
0x194: {  	vm2 =	vlt.u32 v4, v1  }
0x195: {  	s0 =	sadd.s32 $0x1AF80, s30  }
0x196: {  	v5 =	vld [tilespmem:s0+$0x80]  }
0x197: {  	v6 =	vld [tilespmem:s0+$0x100]  }
0x198: {  	v7 =	vld [tilespmem:s0+$0x180];
	_ =	sdelay $0x1  }
0x199: {  	v8 =	vld.idx.msk [tilespmem:v4+s2+$0x0], vm2  }
0x19a: {  	v5 =	vadd.f32 $-7.599999760e-02, v5;
	v9 =	vld.idx.msk [tilespmem:v4+s22+$0x0], vm2  }
0x19b: {  	v6 =	vadd.f32 $-6.380000110e+00, v6;
	v10 =	vld.idx.msk [tilespmem:v4+s23+$0x0], vm2  }
0x19c: {  	v7 =	vadd.f32 $-3.000000000e+00, v7;
	v11 =	vmul.f32 $1.000000050e-03, v5  }
0x19d: {  	v12 =	vmul.f32 $1.000000050e-03, v6  }
0x19e: {  	v13 =	vmul.f32 $1.000000050e-03, v7;
	v11 =	vadd.f32 v11, v8  }
0x19f: {  	v12 =	vadd.f32 v12, v9  }
0x1a0: {  	v13 =	vadd.f32 v13, v10;
	v11 =	vmax.f32 v11, $0.0e+00  }
0x1a1: {  	v50 =	vmax.f32 v12, $0.0e+00;
	[tilespmem:v4+s2+$0x0] =	vst.idx.msk vm2, v11  }
0x1a2: {  	v51 =	vmax.f32 v13, $0.0e+00;
	[tilespmem:v4+s22+$0x0] =	vst.idx.msk vm2, v50  }
0x1a3: {  	[tilespmem:v4+s23+$0x0] =	vst.idx.msk vm2, v51  }
0x1a4: {  	s3 =	simm.s32 $0x0;
	_ =	swait.ge [sflag:s28], $0x2000  }
0x1a5: {  	s1 =	sand.u32 $0x70, s3;
	s0 =	sand.u32 $0x1E00, s3;
	[sflag:s28] =	ssyncset.done $0x0  }
0x1a6: {  	s0 =	sor.u32 s1, s0;
	[sflag:s28] =	ssyncadd.s32 $0xFFFFE000  }
0x1a7: {  	v4 =	vld [tilespmem:s0+$0x16F80];
	_ =	sdelay $0x4  }
0x1a8: {  	v4 =	vsub.s32 v4, v0  }
0x1a9: {  	vm1 =	vlt.u32 v4, v1  }
0x1aa: {  	s0 =	sadd.s32 $0x16F80, s0  }
0x1ab: {  	v52 =	vld [tilespmem:s0+$0x80]  }
0x1ac: {  	v53 =	vld [tilespmem:s0+$0x100]  }
0x1ad: {  	v54 =	vld [tilespmem:s0+$0x180];
	_ =	sdelay $0x1  }
0x1ae: {  	v3 =	vnsel vm0, $0x0, v3;
	v5 =	vmul.f32 v5, v8;
	v6 =	vmul.f32 v6, v9;
	v14 =	vld.idx.msk [tilespmem:v4+s2+$0x0], vm1  }
0x1af: {  	v2 =	vadd.f32 v3, v2;
	v15 =	vld.idx.msk [tilespmem:v4+s22+$0x0], vm1  }
0x1b0: {  	v5 =	vadd.f32 v6, v5;
	v11 =	vadd.f32 $-7.599999760e-02, v52;
	v55 =	vld.idx.msk [tilespmem:v4+s23+$0x0], vm1  }
0x1b1: {  	v3 =	vmul.f32 v7, v10;
	v12 =	vadd.f32 $-6.380000110e+00, v53;
	v56 =	vadd.f32 $-3.000000000e+00, v54  }
0x1b2: {  	v57 =	vmul.f32 $1.000000050e-03, v11  }
0x1b3: {  	v3 =	vadd.f32 v3, v5;
	v58 =	vmul.f32 $1.000000050e-03, v12;
	v59 =	vmul.f32 $1.000000050e-03, v56  }
0x1b4: {  	v60 =	vadd.f32 v57, v14;
	v11 =	vmul.f32 v11, v14;
	v12 =	vmul.f32 v12, v15  }
0x1b5: {  	v7 =	vadd.f32 v58, v15;
	v5 =	vadd.f32 v59, v55  }
0x1b6: {  	v8 =	vmul.f32 v56, v55;
	v61 =	vmax.f32 v60, $0.0e+00;
	v62 =	vadd.f32 v12, v11  }
0x1b7: {  	s3 =	simm.s32 $0x10;
	v3 =	vnsel vm2, $0x0, v3;
	s0 =	simm.s32 $0x40;
	v63 =	vmax.f32 v7, $0.0e+00;
	[tilespmem:v4+s2+$0x0] =	vst.idx.msk vm1, v61  }
0x1b8: {  	s3 =	sand.u32 $0x70, s3;
	v2 =	vadd.f32 v3, v2;
	s30 =	sand.u32 $0x1E00, s0;
	v5 =	vmax.f32 v5, $0.0e+00;
	[tilespmem:v4+s22+$0x0] =	vst.idx.msk vm1, v63;
	v3 =	vadd.f32 v8, v62  }
0x1b9: {  	s1 =	simm.s32 $0x20;
	s30 =	sor.u32 s3, s30;
	[tilespmem:v4+s23+$0x0] =	vst.idx.msk vm1, v5  }
.LBB2_14:
0x1ba: {  	p1 =	sne.s32 s1, $0x7F0;
	v4 =	vld [tilespmem:s30+$0x16F80];
	v3 =	vnsel vm1, $0x0, v3;
	s3 =	smov.u32 s1;
	s1 =	sadd.s32 $0x10, s1  }
0x1bb: {  	v2 =	vadd.f32 v3, v2;
	_ =	sdelay $0x3  }
0x1bc: {  	v4 =	vsub.s32 v4, v0  }
0x1bd: {  	vm1 =	vlt.u32 v4, v1;
	_ =	sdelay $0x1  }
0x1be: {  	s30 =	sadd.s32 $0x16F80, s30  }
0x1bf: {  	v3 =	vld [tilespmem:s30+$0x100]  }
0x1c0: {  	v5 =	vld [tilespmem:s30+$0x80]  }
0x1c1: {  	v6 =	vld [tilespmem:s30+$0x180]  }
0x1c2: {  	v7 =	vld.idx.msk [tilespmem:v4+s2+$0x0], vm1  }
0x1c3: {  	v8 =	vld.idx.msk [tilespmem:v4+s22+$0x0], vm1  }
0x1c4: {  	v9 =	vld.idx.msk [tilespmem:v4+s23+$0x0], vm1;
	v3 =	vadd.f32 $-6.380000110e+00, v3  }
0x1c5: {  	v5 =	vadd.f32 $-7.599999760e-02, v5  }
0x1c6: {  	v6 =	vadd.f32 $-3.000000000e+00, v6  }
0x1c7: {  	v11 =	vmul.f32 $1.000000050e-03, v3;
	v10 =	vmul.f32 $1.000000050e-03, v5  }
0x1c8: {  	v5 =	vmul.f32 v5, v7;
	v12 =	vmul.f32 $1.000000050e-03, v6  }
0x1c9: {  	v3 =	vmul.f32 v3, v8;
	v8 =	vadd.f32 v11, v8;
	v7 =	vadd.f32 v10, v7  }
.Ltmp6:
0x1ca: {  	v6 =	vmul.f32 v6, v9;
	v9 =	vadd.f32 v12, v9;
	(pc) =	sbr.rel @p1 .LBB2_14-.Ltmp6, $4  }
0x1cb: {  	v3 =	vadd.f32 v3, v5;
	v5 =	vmax.f32 v7, $0.0e+00  }
0x1cc: {  	s0 =	sadd.s32 $0x40, s0;
	[tilespmem:v4+s2+$0x0] =	vst.idx.msk vm1, v5;
	v5 =	vmax.f32 v8, $0.0e+00  }
0x1cd: {  	s3 =	sand.u32 $0x70, s3;
	s30 =	sand.u32 $0x1E00, s0;
	v3 =	vadd.f32 v6, v3;
	[tilespmem:v4+s22+$0x0] =	vst.idx.msk vm1, v5;
	v5 =	vmax.f32 v9, $0.0e+00  }
0x1ce: {  	s30 =	sor.u32 s3, s30;
	[tilespmem:v4+s23+$0x0] =	vst.idx.msk vm1, v5  }
0x1cf: {  	v4 =	vld [tilespmem:s30+$0x16F80];
	_ =	sdelay $0x4  }
0x1d0: {  	v4 =	vsub.s32 v4, v0  }
0x1d1: {  	vm2 =	vlt.u32 v4, v1  }
0x1d2: {  	s0 =	sadd.s32 $0x16F80, s30  }
0x1d3: {  	v5 =	vld [tilespmem:s0+$0x80]  }
0x1d4: {  	v6 =	vld [tilespmem:s0+$0x100]  }
0x1d5: {  	v7 =	vld [tilespmem:s0+$0x180];
	_ =	sdelay $0x1  }
0x1d6: {  	v8 =	vld.idx.msk [tilespmem:v4+s2+$0x0], vm2  }
0x1d7: {  	v5 =	vadd.f32 $-7.599999760e-02, v5;
	v9 =	vld.idx.msk [tilespmem:v4+s22+$0x0], vm2  }
0x1d8: {  	v6 =	vadd.f32 $-6.380000110e+00, v6;
	v10 =	vld.idx.msk [tilespmem:v4+s23+$0x0], vm2  }
0x1d9: {  	v7 =	vadd.f32 $-3.000000000e+00, v7;
	v11 =	vmul.f32 $1.000000050e-03, v5  }
0x1da: {  	v12 =	vmul.f32 $1.000000050e-03, v6  }
0x1db: {  	v13 =	vmul.f32 $1.000000050e-03, v7;
	v11 =	vadd.f32 v11, v8  }
0x1dc: {  	v12 =	vadd.f32 v12, v9  }
0x1dd: {  	v13 =	vadd.f32 v13, v10;
	v11 =	vmax.f32 v11, $0.0e+00  }
0x1de: {  	v50 =	vmax.f32 v12, $0.0e+00;
	[tilespmem:v4+s2+$0x0] =	vst.idx.msk vm2, v11  }
0x1df: {  	v51 =	vmax.f32 v13, $0.0e+00;
	[tilespmem:v4+s22+$0x0] =	vst.idx.msk vm2, v50  }
0x1e0: {  	[tilespmem:v4+s23+$0x0] =	vst.idx.msk vm2, v51  }
0x1e1: {  	s3 =	simm.s32 $0x0;
	_ =	swait.ge [sflag:s28], $0x2000  }
0x1e2: {  	s1 =	sand.u32 $0x70, s3;
	s0 =	sand.u32 $0x1E00, s3;
	[sflag:s28] =	ssyncset.done $0x0  }
0x1e3: {  	s0 =	sor.u32 s1, s0;
	[sflag:s28] =	ssyncadd.s32 $0xFFFFE000  }
0x1e4: {  	v4 =	vld [tilespmem:s0+$0x18F80];
	_ =	sdelay $0x4  }
0x1e5: {  	v4 =	vsub.s32 v4, v0  }
0x1e6: {  	vm0 =	vlt.u32 v4, v1  }
0x1e7: {  	s0 =	sadd.s32 $0x18F80, s0  }
0x1e8: {  	v52 =	vld [tilespmem:s0+$0x80]  }
0x1e9: {  	v53 =	vld [tilespmem:s0+$0x100]  }
0x1ea: {  	v54 =	vld [tilespmem:s0+$0x180];
	_ =	sdelay $0x1  }
0x1eb: {  	v3 =	vnsel vm1, $0x0, v3;
	v5 =	vmul.f32 v5, v8;
	v6 =	vmul.f32 v6, v9;
	v14 =	vld.idx.msk [tilespmem:v4+s2+$0x0], vm0  }
0x1ec: {  	v2 =	vadd.f32 v3, v2;
	v15 =	vld.idx.msk [tilespmem:v4+s22+$0x0], vm0  }
0x1ed: {  	v5 =	vadd.f32 v6, v5;
	v11 =	vadd.f32 $-7.599999760e-02, v52;
	v55 =	vld.idx.msk [tilespmem:v4+s23+$0x0], vm0  }
0x1ee: {  	v3 =	vmul.f32 v7, v10;
	v12 =	vadd.f32 $-6.380000110e+00, v53;
	v56 =	vadd.f32 $-3.000000000e+00, v54  }
0x1ef: {  	v57 =	vmul.f32 $1.000000050e-03, v11  }
0x1f0: {  	v3 =	vadd.f32 v3, v5;
	v58 =	vmul.f32 $1.000000050e-03, v12;
	v59 =	vmul.f32 $1.000000050e-03, v56  }
0x1f1: {  	v60 =	vadd.f32 v57, v14;
	v11 =	vmul.f32 v11, v14;
	v12 =	vmul.f32 v12, v15  }
0x1f2: {  	v7 =	vadd.f32 v58, v15;
	v5 =	vadd.f32 v59, v55  }
0x1f3: {  	v8 =	vmul.f32 v56, v55;
	v61 =	vmax.f32 v60, $0.0e+00;
	v62 =	vadd.f32 v12, v11  }
0x1f4: {  	s3 =	simm.s32 $0x10;
	v3 =	vnsel vm2, $0x0, v3;
	s0 =	simm.s32 $0x40;
	v63 =	vmax.f32 v7, $0.0e+00;
	[tilespmem:v4+s2+$0x0] =	vst.idx.msk vm0, v61  }
0x1f5: {  	s3 =	sand.u32 $0x70, s3;
	v2 =	vadd.f32 v3, v2;
	s30 =	sand.u32 $0x1E00, s0;
	v5 =	vmax.f32 v5, $0.0e+00;
	[tilespmem:v4+s22+$0x0] =	vst.idx.msk vm0, v63;
	v3 =	vadd.f32 v8, v62  }
0x1f6: {  	s1 =	simm.s32 $0x20;
	s30 =	sor.u32 s3, s30;
	[tilespmem:v4+s23+$0x0] =	vst.idx.msk vm0, v5  }
.LBB2_16:
0x1f7: {  	p1 =	sne.s32 s1, $0x7F0;
	v4 =	vld [tilespmem:s30+$0x18F80];
	v3 =	vnsel vm0, $0x0, v3;
	s3 =	smov.u32 s1;
	s1 =	sadd.s32 $0x10, s1  }
0x1f8: {  	v2 =	vadd.f32 v3, v2;
	_ =	sdelay $0x3  }
0x1f9: {  	v4 =	vsub.s32 v4, v0  }
0x1fa: {  	vm0 =	vlt.u32 v4, v1;
	_ =	sdelay $0x1  }
0x1fb: {  	s30 =	sadd.s32 $0x18F80, s30  }
0x1fc: {  	v3 =	vld [tilespmem:s30+$0x100]  }
0x1fd: {  	v5 =	vld [tilespmem:s30+$0x80]  }
0x1fe: {  	v6 =	vld [tilespmem:s30+$0x180]  }
0x1ff: {  	v7 =	vld.idx.msk [tilespmem:v4+s2+$0x0], vm0  }
0x200: {  	v8 =	vld.idx.msk [tilespmem:v4+s22+$0x0], vm0  }
0x201: {  	v9 =	vld.idx.msk [tilespmem:v4+s23+$0x0], vm0;
	v3 =	vadd.f32 $-6.380000110e+00, v3  }
0x202: {  	v5 =	vadd.f32 $-7.599999760e-02, v5  }
0x203: {  	v6 =	vadd.f32 $-3.000000000e+00, v6  }
0x204: {  	v11 =	vmul.f32 $1.000000050e-03, v3;
	v10 =	vmul.f32 $1.000000050e-03, v5  }
0x205: {  	v5 =	vmul.f32 v5, v7;
	v12 =	vmul.f32 $1.000000050e-03, v6  }
0x206: {  	v3 =	vmul.f32 v3, v8;
	v8 =	vadd.f32 v11, v8;
	v7 =	vadd.f32 v10, v7  }
.Ltmp7:
0x207: {  	v6 =	vmul.f32 v6, v9;
	v9 =	vadd.f32 v12, v9;
	(pc) =	sbr.rel @p1 .LBB2_16-.Ltmp7, $4  }
0x208: {  	v3 =	vadd.f32 v3, v5;
	v5 =	vmax.f32 v7, $0.0e+00  }
0x209: {  	s0 =	sadd.s32 $0x40, s0;
	[tilespmem:v4+s2+$0x0] =	vst.idx.msk vm0, v5;
	v5 =	vmax.f32 v8, $0.0e+00  }
0x20a: {  	s3 =	sand.u32 $0x70, s3;
	s30 =	sand.u32 $0x1E00, s0;
	v3 =	vadd.f32 v6, v3;
	[tilespmem:v4+s22+$0x0] =	vst.idx.msk vm0, v5;
	v5 =	vmax.f32 v9, $0.0e+00  }
0x20b: {  	s30 =	sor.u32 s3, s30;
	[tilespmem:v4+s23+$0x0] =	vst.idx.msk vm0, v5  }
0x20c: {  	v4 =	vld [tilespmem:s30+$0x18F80];
	_ =	sdelay $0x4  }
0x20d: {  	v4 =	vsub.s32 v4, v0  }
0x20e: {  	vm1 =	vlt.u32 v4, v1;
	_ =	sdelay $0x1  }
0x20f: {  	s0 =	sadd.s32 $0x18F80, s30  }
0x210: {  	v5 =	vld [tilespmem:s0+$0x100]  }
0x211: {  	v6 =	vld [tilespmem:s0+$0x80]  }
0x212: {  	v7 =	vld [tilespmem:s0+$0x180]  }
0x213: {  	v8 =	vld.idx.msk [tilespmem:v4+s2+$0x0], vm1  }
0x214: {  	v9 =	vld.idx.msk [tilespmem:v4+s22+$0x0], vm1;
	_ =	sdelay $0x1  }
0x215: {  	v10 =	vld.idx.msk [tilespmem:v4+s23+$0x0], vm1  }
0x216: {  	v5 =	vadd.f32 $-6.380000110e+00, v5;
	v6 =	vadd.f32 $-7.599999760e-02, v6;
	_ =	sdelay $0x1  }
0x217: {  	v7 =	vadd.f32 $-3.000000000e+00, v7;
	v11 =	vmul.f32 v6, v8;
	v12 =	vmul.f32 v5, v9;
	_ =	sdelay $0x1  }
0x218: {  	v62 =	vmul.f32 v7, v10;
	v11 =	vadd.f32 v12, v11  }
0x219: {  	v6 =	vmul.f32 $1.000000050e-03, v6  }
0x21a: {  	v3 =	vnsel vm0, $0x0, v3;
	v5 =	vmul.f32 $1.000000050e-03, v5;
	v11 =	vadd.f32 v62, v11  }
0x21b: {  	v2 =	vadd.f32 v3, v2;
	v3 =	vmul.f32 $1.000000050e-03, v7;
	v6 =	vadd.f32 v6, v8  }
0x21c: {  	v5 =	vadd.f32 v5, v9;
	v63 =	vnsel vm1, $0x0, v11  }
0x21d: {  	v3 =	vadd.f32 v3, v10;
	v6 =	vmax.f32 v6, $0.0e+00;
	v2 =	vadd.f32 v63, v2  }
0x21e: {  	v5 =	vmax.f32 v5, $0.0e+00;
	[tilespmem:v4+s2+$0x0] =	vst.idx.msk vm1, v6  }
0x21f: {  	v3 =	vmax.f32 v3, $0.0e+00;
	[tilespmem:v4+s22+$0x0] =	vst.idx.msk vm1, v5;
	v2 =	vmul.f32 $6.103515630e-05, v2  }
0x220: {  	[tilespmem:v4+s23+$0x0] =	vst.idx.msk vm1, v3  }
0x221: {  	[tilespmem:$0x1CF80] =	vst v2  }
0x222: {  	[hbm4b:s14+s2] =	stream.linear.scatter [tilespmem:s2], [sflag:$0x1], $0x7A10, $0x38;
	[tilespmem:$0x1D000] =	vst v63  }
0x223: {  	_ = 	snop  }
0x224: {  	[hbm4b:s15+s2] =	stream.linear.scatter [tilespmem:s22], [sflag:$0x1], $0x7A10, $0x38;
	[tilespmem:$0x1D000] =	vst v63  }
0x225: {  	_ = 	snop  }
0x226: {  	[hbm4b:s16+s2] =	stream.linear.scatter [tilespmem:s23], [sflag:$0x1], $0x7A10, $0x38;
	[tilespmem:$0x1D000] =	vst v63  }
0x227: {  	s30 =	simm.s32 $0x1CF80  }
0x228: {  	[hbm4b:s17+s2] =	stream.linear.scatter [tilespmem:s30], [sflag:$0x2], $0x80, $0x38;
	[tilespmem:$0x1D000] =	vst v63  }
0x229: {  	s1 =	simm.s32 @!p0 $0x7A10;
	s0 =	simm.s32 @!p0 $0x0  }
0x22a: {  	[hbm4b:s18+s0] =	stream.linear.scatter @!p0 [tilespmem:s1], [sflag:$0x2], $0x40, $0x38;
	[tilespmem:$0x1D000] =	vst v63  }
0x22b: {  	s1 =	simm.s32 @!p0 $0xF490  }
0x22c: {  	[hbm4b:s19+s0] =	stream.linear.scatter @!p0 [tilespmem:s1], [sflag:$0x2], $0x40, $0x38;
	[tilespmem:$0x1D000] =	vst v63  }
0x22d: {  	s1 =	simm.s32 @!p0 $0x16F10  }
0x22e: {  	[hbm4b:s20+s0] =	stream.linear.scatter @!p0 [tilespmem:s1], [sflag:$0x2], $0x40, $0x38;
	[tilespmem:$0x1D000] =	vst v63  }
0x22f: {  	s0 =	simm.s32 @!p0 $0x2  }
0x230: {  	_ =	swait.ge @!p0 [sflag:s0], $0x40  }
0x231: {  	[sflag:s0] =	ssyncset.done @!p0 $0x0  }
0x232: {  	[sflag:s0] =	ssyncadd.s32 @!p0 $0xFFFFFFC0  }
0x233: {  	_ =	swait.ge @!p0 [sflag:s0], $0x40  }
0x234: {  	[sflag:s0] =	ssyncset.done @!p0 $0x0  }
0x235: {  	[sflag:s0] =	ssyncadd.s32 @!p0 $0xFFFFFFC0  }
0x236: {  	_ =	swait.ge @!p0 [sflag:s0], $0x40  }
0x237: {  	[sflag:s0] =	ssyncset.done @!p0 $0x0  }
0x238: {  	[sflag:s0] =	ssyncadd.s32 @!p0 $0xFFFFFFC0  }
0x239: {  	_ =	swait.ge [sflag:s26], $0x7A10  }
0x23a: {  	[sflag:s26] =	ssyncset.done $0x0  }
0x23b: {  	[sflag:s26] =	ssyncadd.s32 $0xFFFF85F0  }
0x23c: {  	_ =	swait.ge [sflag:s26], $0x7A10  }
0x23d: {  	[sflag:s26] =	ssyncset.done $0x0  }
0x23e: {  	s31 =	sadd.s32 $0x1, s31;
	[sflag:s26] =	ssyncadd.s32 $0xFFFF85F0  }
0x23f: {  	p1 =	sne.s32 s31, s21;
	_ =	swait.ge [sflag:s26], $0x7A10  }
.Ltmp8:
0x240: {  	[sflag:s26] =	ssyncset.done $0x0;
	(pc) =	sbr.rel @p1 .LBB2_1-.Ltmp8, $4  }
0x241: {  	[sflag:s26] =	ssyncadd.s32 $0xFFFF85F0  }
0x242: {  	_ =	swait.ge [sflag:s28], $0x80  }
0x243: {  	[sflag:s28] =	ssyncset.done $0x0  }
0x244: {  	[sflag:s28] =	ssyncadd.s32 $0xFFFFFF80  }
0x245: {  	_ =	sfence.sel $0x180000  }
0x246: {  	[bflag:$0x0] =	sbarrier.arrive $0xFFFF  }
0x247: {  	_ =	strace $0x90000047  }
0x248: {  	s0 =	stileid.u32;
	[bflag:$0x2] =	sbarrier.arrive $0xFFFF  }
0x249: {  	p0 =	sne.s32 s0, $0x0;
	s0 =	rddreg [dreg:$0x7]  }
0x24a: {  	s0 =	sadd.s32 @!p0 $0x100000, s0  }
0x24b: {  	[sflag:s0] =	ssyncadd.tile.s32 @!p0 $0x1;
	_ =	shalt  }
.Lfunc_end2:
_tile_overlayer_lowered:
.L_overlay_start_2:
0x24c: {  	(tag) =	ssettag $0x2  }
0x24d: {  	s0 =	rddreg [dreg:$0x0];
	s2 =	stileid.u32  }
0x24e: {  	s1 =	rddreg [dreg:$0x1];
	p0 =	sne.s32 s2, $0x0  }
0x24f: {  	s3 =	rddreg [dreg:$0x2];
	[bflag:$0x3] =	sbarrier.arrive $0xFFFF;
	s2 =	simm.s32 @!p0 $0x1C03  }
0x250: {  	[timem:s3], [sflag:s2] =	dma.local @!p0 [hbm:s0], s1  }
0x251: {  	s0 =	simm.s32 @!p0 $0x3  }
0x252: {  	_ =	swait.ge @!p0 [sflag:s0], s1  }
0x253: {  	s1 =	ssub.s32 @!p0 $0x0, s1;
	[sflag:s0] =	ssyncset.done @!p0 $0x0  }
0x254: {  	[sflag:s0] =	ssyncadd.s32 @!p0 s1  }
0x255: {  	[bflag:$0x3] =	sbarrier.arrive $0xFFFF  }
0x256: {  	_ =	shalt  }

</sc_bundles>
